<compile_context>
chip_gen: v7x
topology: tpu7x:2x2x1
jax: 0.10.2.dev20260603
libtpu: 0.0.44.dev20260713+nightly
codegen_flags: <defaults>
</compile_context>

<pallas_src>
import functools
import math

import jax
import jax.numpy as jnp
from jax import lax
from jax.experimental import pallas as pl
from jax.experimental.pallas import tpu as pltpu
from jax.experimental.pallas import tpu_sc as plsc

N_VOCAB = 100000
HIDDEN = 64
BATCH = 4096
SEQ = 200
SCALE = math.sqrt(HIDDEN)

NW = 32
NBG = BATCH // 128
NUNIT = SEQ * NBG
PER_W = NUNIT // NW
TBLK = 8192


def _scale_body(t_ref, o_ref):
    o_ref[:, 0:HIDDEN] = t_ref[...].T * SCALE


def _scale_table(emb_weight):
    embT = emb_weight.T
    scaled = pl.pallas_call(
        _scale_body,
        grid=((N_VOCAB + TBLK - 1) // TBLK,),
        in_specs=[pl.BlockSpec((HIDDEN, TBLK), lambda i: (0, i))],
        out_specs=pl.BlockSpec((TBLK, 2 * HIDDEN), lambda i: (i, 0)),
        out_shape=jax.ShapeDtypeStruct((N_VOCAB, 2 * HIDDEN), jnp.float32),
    )(embT)
    return scaled.reshape(2 * N_VOCAB, HIDDEN)


NB = 4


def _gather_kernel(x_hbm, table_hbm, out_hbm, idx_v, *bufs):
    rows = bufs[0:NB]
    trs = bufs[NB:2 * NB]
    gsems = bufs[2 * NB:3 * NB]
    osems = bufs[3 * NB:4 * NB]
    c = lax.axis_index("c")
    s_ax = lax.axis_index("s")
    wid = s_ax * 2 + c
    pltpu.sync_copy(x_hbm.at[wid], idx_v)
    lane = lax.iota(jnp.int32, 16)
    base_u = wid * PER_W

    def gather_start(t, rbuf, sem):
        pltpu.make_async_copy(table_hbm.at[idx_v.at[t]], rbuf, sem).start()

    def gather_wait(rbuf, sem):
        pltpu.make_async_copy(table_hbm.at[idx_v.at[0]], rbuf, sem).wait()

    hsplit = []
    for g4 in range(4):
        hv = lane + 16 * g4
        hsplit.append((hv // 8, hv % 8))

    def transpose(rbuf, tbuf):
        @plsc.parallel_loop(0, 128, unroll=4)
        def r_body(r):
            bvec = jnp.full((16,), r, jnp.int32)
            for g4 in range(4):
                v = rbuf[r, pl.ds(16 * g4, 16)]
                plsc.store_scatter(tbuf, [hsplit[g4][0], hsplit[g4][1], bvec], v)

    def out_ref(t):
        u = base_u + t
        return out_hbm.at[u // NBG, :, u % NBG]

    def out_start(t, tbuf, sem):
        pltpu.make_async_copy(tbuf.at[:, :, 0:128], out_ref(t), sem).start()

    def out_wait(tbuf, sem):
        pltpu.make_async_copy(tbuf.at[:, :, 0:128], out_ref(0), sem).wait()

    for i in range(NB):
        gather_start(i, rows[i], gsems[i])

    def body(tb, carry):
        t0 = NB * tb
        for i in range(NB):
            gather_wait(rows[i], gsems[i])

            @pl.when(tb > 0)
            def _(i=i):
                out_wait(trs[i], osems[i])

            transpose(rows[i], trs[i])

            @pl.when(tb < PER_W // NB - 1)
            def _(i=i, t0=t0):
                gather_start(t0 + i + NB, rows[i], gsems[i])

            out_start(t0 + i, trs[i], osems[i])
        return carry

    lax.fori_loop(0, PER_W // NB, body, 0)
    for i in range(NB):
        out_wait(trs[i], osems[i])


@jax.jit
def kernel(x, x_lengths, emb_weight):
    del x_lengths
    table = _scale_table(emb_weight)
    xw = (x.T.astype(jnp.int32) * 2).reshape(NW, PER_W, 128)

    mesh = plsc.VectorSubcoreMesh(core_axis_name="c", subcore_axis_name="s")
    gather = functools.partial(
        pl.kernel,
        mesh=mesh,
        out_type=jax.ShapeDtypeStruct((SEQ, 8, NBG, 8, 128), jnp.float32),
        scratch_types=(
            [pltpu.VMEM((PER_W, 128), jnp.int32)]
            + [pltpu.VMEM((128, HIDDEN), jnp.float32) for _ in range(NB)]
            + [pltpu.VMEM((8, 8, 129), jnp.float32) for _ in range(NB)]
            + [pltpu.SemaphoreType.DMA for _ in range(2 * NB)]
        ),
        compiler_params=pltpu.CompilerParams(
            use_tc_tiling_on_sc=False, needs_layout_passes=False
        ),
    )(_gather_kernel)
    out5 = gather(xw, table)
    return out5.transpose((2, 4, 0, 1, 3)).reshape(BATCH, SEQ, HIDDEN)

# --- scband reference (transcript-rebuilt; emitter-appended) ---
"""Pipeline reference for scband-text-encoder-9818295239153 (READ-ONLY COPY).

The authoritative reference and input builder live on the scoring server;
editing this copy changes nothing except your own understanding.
"""

import jax, jax.numpy as jnp
import numpy as np
import math

N_VOCAB = 100000
HIDDEN = 64
BATCH = 4096
SEQ = 200

def setup_inputs(seed: int = 0) -> dict:
    key = jax.random.key(seed)
    k1, k2, k3 = jax.random.split(key, 3)
    x = jax.random.randint(k1, (BATCH, SEQ), 0, N_VOCAB, dtype=jnp.int64) if jax.config.jax_enable_x64 else jax.random.randint(k1, (BATCH, SEQ), 0, N_VOCAB, dtype=jnp.int32)
    x_lengths = jax.random.randint(k2, (BATCH,), 1, SEQ, dtype=x.dtype)
    # nn.init.normal_(emb.weight, 0.0, hidden_channels ** -0.5)
    emb_weight = jax.random.normal(k3, (N_VOCAB, HIDDEN), dtype=jnp.float32) * (HIDDEN ** -0.5)
    return {"x": x, "x_lengths": x_lengths, "emb_weight": emb_weight}

def reference(x, x_lengths, emb_weight):
    # x = self.emb(x) * math.sqrt(hidden_channels)
    out = jnp.take(emb_weight, x, axis=0) * math.sqrt(HIDDEN)
    return out

if __name__ == "__main__":
    import jax
    _d = setup_inputs()
    print(jax.jit(kernel)(*tuple(_d.values())))

</pallas_src>

<mosaic_0001>
#map = affine_map<(d0, d1) -> (0, 0, 0)>
#map1 = affine_map<(d0, d1) -> (0, 0)>
#map2 = affine_map<(d0, d1) -> (0, 0, 0, 0, 0)>
module attributes {stable_mosaic.version = 14 : i64} {
  func.func @_gather_kernel(%arg0: i32, %arg1: i32, %arg2: memref<32x200x128xi32, #tpu.memory_space<hbm>>, %arg3: memref<200000x64xf32, #tpu.memory_space<hbm>>, %arg4: memref<200x8x32x8x128xf32, #tpu.memory_space<hbm>>, %arg5: memref<200x128xi32, #tpu.memory_space<vmem>>, %arg6: memref<128x64xf32, #tpu.memory_space<vmem>>, %arg7: memref<128x64xf32, #tpu.memory_space<vmem>>, %arg8: memref<128x64xf32, #tpu.memory_space<vmem>>, %arg9: memref<128x64xf32, #tpu.memory_space<vmem>>, %arg10: memref<8x8x129xf32, #tpu.memory_space<vmem>>, %arg11: memref<8x8x129xf32, #tpu.memory_space<vmem>>, %arg12: memref<8x8x129xf32, #tpu.memory_space<vmem>>, %arg13: memref<8x8x129xf32, #tpu.memory_space<vmem>>, %arg14: memref<!tpu.dma_semaphore, #tpu.memory_space<semaphore_mem>>, %arg15: memref<!tpu.dma_semaphore, #tpu.memory_space<semaphore_mem>>, %arg16: memref<!tpu.dma_semaphore, #tpu.memory_space<semaphore_mem>>, %arg17: memref<!tpu.dma_semaphore, #tpu.memory_space<semaphore_mem>>, %arg18: memref<!tpu.dma_semaphore, #tpu.memory_space<semaphore_mem>>, %arg19: memref<!tpu.dma_semaphore, #tpu.memory_space<semaphore_mem>>, %arg20: memref<!tpu.dma_semaphore, #tpu.memory_space<semaphore_mem>>, %arg21: memref<!tpu.dma_semaphore, #tpu.memory_space<semaphore_mem>>) attributes {dimension_semantics = [#tpu.dimension_semantics<core_parallel>, #tpu.dimension_semantics<subcore_parallel>], iteration_bounds = array<i64: 2, 16>, scalar_prefetch = 0 : i64, scratch_operands = 17 : i64, tpu.core_type = #tpu.core_type<sc_vector_subcore>, window_params = [{transform_indices = #map}, {transform_indices = #map1}, {transform_indices = #map2}]} {
    %mul3A = arith.constant 2 : i32
    %mul3A_0 = arith.muli %arg1, %mul3A : i32
    %add3A = arith.addi %mul3A_0, %arg0 : i32
    "tpu.region"() ({
      %run_scoped3A = tpu.sem_alloc : memref<!tpu.dma_semaphore, #tpu.memory_space<semaphore_mem>>
      %dma_start3A_488 = arith.constant 0 : i32
      %dma_start3A_489 = arith.constant 0 : i32
      %dma_start3A_490 = tpu.memref_slice %arg2[%add3A, %dma_start3A_488, %dma_start3A_489] : memref<32x200x128xi32, #tpu.memory_space<hbm>> -> memref<1x200x128xi32, #tpu.memory_space<hbm>>
      %dma_start3A_491 = tpu.memref_squeeze %dma_start3A_490 : memref<1x200x128xi32, #tpu.memory_space<hbm>> -> memref<200x128xi32, #tpu.memory_space<hbm>>
      %dma_start3A_492 = arith.constant 0 : i32
      %dma_start3A_493 = arith.constant 0 : i32
      %dma_start3A_494 = tpu.memref_slice %arg2[%add3A, %dma_start3A_492, %dma_start3A_493] : memref<32x200x128xi32, #tpu.memory_space<hbm>> -> memref<1x200x128xi32, #tpu.memory_space<hbm>>
      %dma_start3A_495 = tpu.memref_squeeze %dma_start3A_494 : memref<1x200x128xi32, #tpu.memory_space<hbm>> -> memref<200x128xi32, #tpu.memory_space<hbm>>
      tpu.enqueue_dma source(%dma_start3A_495 : memref<200x128xi32, #tpu.memory_space<hbm>>) target(%arg5 : memref<200x128xi32, #tpu.memory_space<vmem>>) target_semaphore(%run_scoped3A : memref<!tpu.dma_semaphore, #tpu.memory_space<semaphore_mem>>)
      %dma_wait3A_496 = arith.constant 0 : i32
      %dma_wait3A_497 = arith.constant 0 : i32
      %dma_wait3A_498 = tpu.memref_slice %arg2[%add3A, %dma_wait3A_496, %dma_wait3A_497] : memref<32x200x128xi32, #tpu.memory_space<hbm>> -> memref<1x200x128xi32, #tpu.memory_space<hbm>>
      %dma_wait3A_499 = tpu.memref_squeeze %dma_wait3A_498 : memref<1x200x128xi32, #tpu.memory_space<hbm>> -> memref<200x128xi32, #tpu.memory_space<hbm>>
      %dma_wait3A_500 = arith.constant 0 : i32
      %dma_wait3A_501 = arith.constant 0 : i32
      %dma_wait3A_502 = tpu.memref_slice %arg2[%add3A, %dma_wait3A_500, %dma_wait3A_501] : memref<32x200x128xi32, #tpu.memory_space<hbm>> -> memref<1x200x128xi32, #tpu.memory_space<hbm>>
      %dma_wait3A_503 = tpu.memref_squeeze %dma_wait3A_502 : memref<1x200x128xi32, #tpu.memory_space<hbm>> -> memref<200x128xi32, #tpu.memory_space<hbm>>
      tpu.wait_dma2 semaphore(%run_scoped3A : memref<!tpu.dma_semaphore, #tpu.memory_space<semaphore_mem>>) src(%dma_wait3A_503 : memref<200x128xi32, #tpu.memory_space<hbm>>) dst(%arg5 : memref<200x128xi32, #tpu.memory_space<vmem>>)
      tpu.yield
    }) : () -> ()
    %iota3A = tpu.iota {dimensions = array<i32: 0>} : vector<16xi32>
    %mul3A_1 = arith.constant 200 : i32
    %mul3A_2 = arith.muli %add3A, %mul3A_1 : i32
    %add3A_3 = arith.constant 0 : i32
    %add3A_4 = vector.broadcast %add3A_3 : i32 to vector<16xi32>
    %add3A_5 = arith.addi %iota3A, %add3A_4 : vector<16xi32>
    %jit3A = arith.constant 8 : i32
    %div3A = vector.broadcast %jit3A : i32 to vector<16xi32>
    %div3A_6 = arith.divsi %add3A_5, %div3A : vector<16xi32>
    %sign3A = arith.constant 0 : i32
    %sign3A_7 = vector.broadcast %sign3A : i32 to vector<16xi32>
    %sign3A_8 = arith.cmpi sgt, %add3A_5, %sign3A_7 : vector<16xi32>
    %sign3A_9 = arith.extui %sign3A_8 : vector<16xi1> to vector<16xi32>
    %sign3A_10 = arith.constant 0 : i32
    %sign3A_11 = vector.broadcast %sign3A_10 : i32 to vector<16xi32>
    %sign3A_12 = arith.cmpi slt, %add3A_5, %sign3A_11 : vector<16xi32>
    %sign3A_13 = arith.extui %sign3A_12 : vector<16xi1> to vector<16xi32>
    %sign3A_14 = arith.subi %sign3A_9, %sign3A_13 : vector<16xi32>
    %sign3A_15 = arith.constant 0 : i32
    %sign3A_16 = arith.cmpi sgt, %jit3A, %sign3A_15 : i32
    %sign3A_17 = arith.extui %sign3A_16 : i1 to i32
    %sign3A_18 = arith.constant 0 : i32
    %sign3A_19 = arith.cmpi slt, %jit3A, %sign3A_18 : i32
    %sign3A_20 = arith.extui %sign3A_19 : i1 to i32
    %sign3A_21 = arith.subi %sign3A_17, %sign3A_20 : i32
    %ne3A = vector.broadcast %sign3A_21 : i32 to vector<16xi32>
    %ne3A_22 = arith.cmpi ne, %sign3A_14, %ne3A : vector<16xi32>
    %rem3A = vector.broadcast %jit3A : i32 to vector<16xi32>
    %rem3A_23 = arith.remsi %add3A_5, %rem3A : vector<16xi32>
    %ne3A_24 = arith.constant 0 : i32
    %ne3A_25 = vector.broadcast %ne3A_24 : i32 to vector<16xi32>
    %ne3A_26 = arith.cmpi ne, %rem3A_23, %ne3A_25 : vector<16xi32>
    %and3A = arith.andi %ne3A_22, %ne3A_26 : vector<16xi1>
    %sub3A = arith.constant 1 : i32
    %sub3A_27 = vector.broadcast %sub3A : i32 to vector<16xi32>
    %sub3A_28 = arith.subi %div3A_6, %sub3A_27 : vector<16xi32>
    %select_n3A = arith.select %and3A, %sub3A_28, %div3A_6 : vector<16xi1>, vector<16xi32>
    %jit3A_29 = arith.constant 8 : i32
    %eq3A = arith.constant 0 : i32
    %eq3A_30 = arith.cmpi eq, %jit3A_29, %eq3A : i32
    %jit3A_31 = arith.constant 1 : i32
    %select_n3A_32 = arith.select %eq3A_30, %jit3A_31, %jit3A_29 : i32
    %rem3A_33 = vector.broadcast %select_n3A_32 : i32 to vector<16xi32>
    %rem3A_34 = arith.remsi %add3A_5, %rem3A_33 : vector<16xi32>
    %ne3A_35 = arith.constant 0 : i32
    %ne3A_36 = vector.broadcast %ne3A_35 : i32 to vector<16xi32>
    %ne3A_37 = arith.cmpi ne, %rem3A_34, %ne3A_36 : vector<16xi32>
    %lt3A = arith.constant 0 : i32
    %lt3A_38 = vector.broadcast %lt3A : i32 to vector<16xi32>
    %lt3A_39 = arith.cmpi slt, %rem3A_34, %lt3A_38 : vector<16xi32>
    %lt3A_40 = arith.constant 0 : i32
    %lt3A_41 = arith.cmpi slt, %select_n3A_32, %lt3A_40 : i32
    %ne3A_42 = vector.broadcast %lt3A_41 : i1 to vector<16xi1>
    %ne3A_43 = vector.broadcast %ne3A_42 : vector<16xi1> to vector<16xi1>
    %ne3A_44 = arith.xori %lt3A_39, %ne3A_43 : vector<16xi1>
    %and3A_45 = arith.andi %ne3A_44, %ne3A_37 : vector<16xi1>
    %add3A_46 = vector.broadcast %select_n3A_32 : i32 to vector<16xi32>
    %add3A_47 = arith.addi %rem3A_34, %add3A_46 : vector<16xi32>
    %select_n3A_48 = arith.select %and3A_45, %add3A_47, %rem3A_34 : vector<16xi1>, vector<16xi32>
    %add3A_49 = arith.constant 16 : i32
    %add3A_50 = vector.broadcast %add3A_49 : i32 to vector<16xi32>
    %add3A_51 = arith.addi %iota3A, %add3A_50 : vector<16xi32>
    %jit3A_52 = arith.constant 8 : i32
    %div3A_53 = vector.broadcast %jit3A_52 : i32 to vector<16xi32>
    %div3A_54 = arith.divsi %add3A_51, %div3A_53 : vector<16xi32>
    %sign3A_55 = arith.constant 0 : i32
    %sign3A_56 = vector.broadcast %sign3A_55 : i32 to vector<16xi32>
    %sign3A_57 = arith.cmpi sgt, %add3A_51, %sign3A_56 : vector<16xi32>
    %sign3A_58 = arith.extui %sign3A_57 : vector<16xi1> to vector<16xi32>
    %sign3A_59 = arith.constant 0 : i32
    %sign3A_60 = vector.broadcast %sign3A_59 : i32 to vector<16xi32>
    %sign3A_61 = arith.cmpi slt, %add3A_51, %sign3A_60 : vector<16xi32>
    %sign3A_62 = arith.extui %sign3A_61 : vector<16xi1> to vector<16xi32>
    %sign3A_63 = arith.subi %sign3A_58, %sign3A_62 : vector<16xi32>
    %sign3A_64 = arith.constant 0 : i32
    %sign3A_65 = arith.cmpi sgt, %jit3A_52, %sign3A_64 : i32
    %sign3A_66 = arith.extui %sign3A_65 : i1 to i32
    %sign3A_67 = arith.constant 0 : i32
    %sign3A_68 = arith.cmpi slt, %jit3A_52, %sign3A_67 : i32
    %sign3A_69 = arith.extui %sign3A_68 : i1 to i32
    %sign3A_70 = arith.subi %sign3A_66, %sign3A_69 : i32
    %ne3A_71 = vector.broadcast %sign3A_70 : i32 to vector<16xi32>
    %ne3A_72 = arith.cmpi ne, %sign3A_63, %ne3A_71 : vector<16xi32>
    %rem3A_73 = vector.broadcast %jit3A_52 : i32 to vector<16xi32>
    %rem3A_74 = arith.remsi %add3A_51, %rem3A_73 : vector<16xi32>
    %ne3A_75 = arith.constant 0 : i32
    %ne3A_76 = vector.broadcast %ne3A_75 : i32 to vector<16xi32>
    %ne3A_77 = arith.cmpi ne, %rem3A_74, %ne3A_76 : vector<16xi32>
    %and3A_78 = arith.andi %ne3A_72, %ne3A_77 : vector<16xi1>
    %sub3A_79 = arith.constant 1 : i32
    %sub3A_80 = vector.broadcast %sub3A_79 : i32 to vector<16xi32>
    %sub3A_81 = arith.subi %div3A_54, %sub3A_80 : vector<16xi32>
    %select_n3A_82 = arith.select %and3A_78, %sub3A_81, %div3A_54 : vector<16xi1>, vector<16xi32>
    %jit3A_83 = arith.constant 8 : i32
    %eq3A_84 = arith.constant 0 : i32
    %eq3A_85 = arith.cmpi eq, %jit3A_83, %eq3A_84 : i32
    %jit3A_86 = arith.constant 1 : i32
    %select_n3A_87 = arith.select %eq3A_85, %jit3A_86, %jit3A_83 : i32
    %rem3A_88 = vector.broadcast %select_n3A_87 : i32 to vector<16xi32>
    %rem3A_89 = arith.remsi %add3A_51, %rem3A_88 : vector<16xi32>
    %ne3A_90 = arith.constant 0 : i32
    %ne3A_91 = vector.broadcast %ne3A_90 : i32 to vector<16xi32>
    %ne3A_92 = arith.cmpi ne, %rem3A_89, %ne3A_91 : vector<16xi32>
    %lt3A_93 = arith.constant 0 : i32
    %lt3A_94 = vector.broadcast %lt3A_93 : i32 to vector<16xi32>
    %lt3A_95 = arith.cmpi slt, %rem3A_89, %lt3A_94 : vector<16xi32>
    %lt3A_96 = arith.constant 0 : i32
    %lt3A_97 = arith.cmpi slt, %select_n3A_87, %lt3A_96 : i32
    %ne3A_98 = vector.broadcast %lt3A_97 : i1 to vector<16xi1>
    %ne3A_99 = vector.broadcast %ne3A_98 : vector<16xi1> to vector<16xi1>
    %ne3A_100 = arith.xori %lt3A_95, %ne3A_99 : vector<16xi1>
    %and3A_101 = arith.andi %ne3A_100, %ne3A_92 : vector<16xi1>
    %add3A_102 = vector.broadcast %select_n3A_87 : i32 to vector<16xi32>
    %add3A_103 = arith.addi %rem3A_89, %add3A_102 : vector<16xi32>
    %select_n3A_104 = arith.select %and3A_101, %add3A_103, %rem3A_89 : vector<16xi1>, vector<16xi32>
    %add3A_105 = arith.constant 32 : i32
    %add3A_106 = vector.broadcast %add3A_105 : i32 to vector<16xi32>
    %add3A_107 = arith.addi %iota3A, %add3A_106 : vector<16xi32>
    %jit3A_108 = arith.constant 8 : i32
    %div3A_109 = vector.broadcast %jit3A_108 : i32 to vector<16xi32>
    %div3A_110 = arith.divsi %add3A_107, %div3A_109 : vector<16xi32>
    %sign3A_111 = arith.constant 0 : i32
    %sign3A_112 = vector.broadcast %sign3A_111 : i32 to vector<16xi32>
    %sign3A_113 = arith.cmpi sgt, %add3A_107, %sign3A_112 : vector<16xi32>
    %sign3A_114 = arith.extui %sign3A_113 : vector<16xi1> to vector<16xi32>
    %sign3A_115 = arith.constant 0 : i32
    %sign3A_116 = vector.broadcast %sign3A_115 : i32 to vector<16xi32>
    %sign3A_117 = arith.cmpi slt, %add3A_107, %sign3A_116 : vector<16xi32>
    %sign3A_118 = arith.extui %sign3A_117 : vector<16xi1> to vector<16xi32>
    %sign3A_119 = arith.subi %sign3A_114, %sign3A_118 : vector<16xi32>
    %sign3A_120 = arith.constant 0 : i32
    %sign3A_121 = arith.cmpi sgt, %jit3A_108, %sign3A_120 : i32
    %sign3A_122 = arith.extui %sign3A_121 : i1 to i32
    %sign3A_123 = arith.constant 0 : i32
    %sign3A_124 = arith.cmpi slt, %jit3A_108, %sign3A_123 : i32
    %sign3A_125 = arith.extui %sign3A_124 : i1 to i32
    %sign3A_126 = arith.subi %sign3A_122, %sign3A_125 : i32
    %ne3A_127 = vector.broadcast %sign3A_126 : i32 to vector<16xi32>
    %ne3A_128 = arith.cmpi ne, %sign3A_119, %ne3A_127 : vector<16xi32>
    %rem3A_129 = vector.broadcast %jit3A_108 : i32 to vector<16xi32>
    %rem3A_130 = arith.remsi %add3A_107, %rem3A_129 : vector<16xi32>
    %ne3A_131 = arith.constant 0 : i32
    %ne3A_132 = vector.broadcast %ne3A_131 : i32 to vector<16xi32>
    %ne3A_133 = arith.cmpi ne, %rem3A_130, %ne3A_132 : vector<16xi32>
    %and3A_134 = arith.andi %ne3A_128, %ne3A_133 : vector<16xi1>
    %sub3A_135 = arith.constant 1 : i32
    %sub3A_136 = vector.broadcast %sub3A_135 : i32 to vector<16xi32>
    %sub3A_137 = arith.subi %div3A_110, %sub3A_136 : vector<16xi32>
    %select_n3A_138 = arith.select %and3A_134, %sub3A_137, %div3A_110 : vector<16xi1>, vector<16xi32>
    %jit3A_139 = arith.constant 8 : i32
    %eq3A_140 = arith.constant 0 : i32
    %eq3A_141 = arith.cmpi eq, %jit3A_139, %eq3A_140 : i32
    %jit3A_142 = arith.constant 1 : i32
    %select_n3A_143 = arith.select %eq3A_141, %jit3A_142, %jit3A_139 : i32
    %rem3A_144 = vector.broadcast %select_n3A_143 : i32 to vector<16xi32>
    %rem3A_145 = arith.remsi %add3A_107, %rem3A_144 : vector<16xi32>
    %ne3A_146 = arith.constant 0 : i32
    %ne3A_147 = vector.broadcast %ne3A_146 : i32 to vector<16xi32>
    %ne3A_148 = arith.cmpi ne, %rem3A_145, %ne3A_147 : vector<16xi32>
    %lt3A_149 = arith.constant 0 : i32
    %lt3A_150 = vector.broadcast %lt3A_149 : i32 to vector<16xi32>
    %lt3A_151 = arith.cmpi slt, %rem3A_145, %lt3A_150 : vector<16xi32>
    %lt3A_152 = arith.constant 0 : i32
    %lt3A_153 = arith.cmpi slt, %select_n3A_143, %lt3A_152 : i32
    %ne3A_154 = vector.broadcast %lt3A_153 : i1 to vector<16xi1>
    %ne3A_155 = vector.broadcast %ne3A_154 : vector<16xi1> to vector<16xi1>
    %ne3A_156 = arith.xori %lt3A_151, %ne3A_155 : vector<16xi1>
    %and3A_157 = arith.andi %ne3A_156, %ne3A_148 : vector<16xi1>
    %add3A_158 = vector.broadcast %select_n3A_143 : i32 to vector<16xi32>
    %add3A_159 = arith.addi %rem3A_145, %add3A_158 : vector<16xi32>
    %select_n3A_160 = arith.select %and3A_157, %add3A_159, %rem3A_145 : vector<16xi1>, vector<16xi32>
    %add3A_161 = arith.constant 48 : i32
    %add3A_162 = vector.broadcast %add3A_161 : i32 to vector<16xi32>
    %add3A_163 = arith.addi %iota3A, %add3A_162 : vector<16xi32>
    %jit3A_164 = arith.constant 8 : i32
    %div3A_165 = vector.broadcast %jit3A_164 : i32 to vector<16xi32>
    %div3A_166 = arith.divsi %add3A_163, %div3A_165 : vector<16xi32>
    %sign3A_167 = arith.constant 0 : i32
    %sign3A_168 = vector.broadcast %sign3A_167 : i32 to vector<16xi32>
    %sign3A_169 = arith.cmpi sgt, %add3A_163, %sign3A_168 : vector<16xi32>
    %sign3A_170 = arith.extui %sign3A_169 : vector<16xi1> to vector<16xi32>
    %sign3A_171 = arith.constant 0 : i32
    %sign3A_172 = vector.broadcast %sign3A_171 : i32 to vector<16xi32>
    %sign3A_173 = arith.cmpi slt, %add3A_163, %sign3A_172 : vector<16xi32>
    %sign3A_174 = arith.extui %sign3A_173 : vector<16xi1> to vector<16xi32>
    %sign3A_175 = arith.subi %sign3A_170, %sign3A_174 : vector<16xi32>
    %sign3A_176 = arith.constant 0 : i32
    %sign3A_177 = arith.cmpi sgt, %jit3A_164, %sign3A_176 : i32
    %sign3A_178 = arith.extui %sign3A_177 : i1 to i32
    %sign3A_179 = arith.constant 0 : i32
    %sign3A_180 = arith.cmpi slt, %jit3A_164, %sign3A_179 : i32
    %sign3A_181 = arith.extui %sign3A_180 : i1 to i32
    %sign3A_182 = arith.subi %sign3A_178, %sign3A_181 : i32
    %ne3A_183 = vector.broadcast %sign3A_182 : i32 to vector<16xi32>
    %ne3A_184 = arith.cmpi ne, %sign3A_175, %ne3A_183 : vector<16xi32>
    %rem3A_185 = vector.broadcast %jit3A_164 : i32 to vector<16xi32>
    %rem3A_186 = arith.remsi %add3A_163, %rem3A_185 : vector<16xi32>
    %ne3A_187 = arith.constant 0 : i32
    %ne3A_188 = vector.broadcast %ne3A_187 : i32 to vector<16xi32>
    %ne3A_189 = arith.cmpi ne, %rem3A_186, %ne3A_188 : vector<16xi32>
    %and3A_190 = arith.andi %ne3A_184, %ne3A_189 : vector<16xi1>
    %sub3A_191 = arith.constant 1 : i32
    %sub3A_192 = vector.broadcast %sub3A_191 : i32 to vector<16xi32>
    %sub3A_193 = arith.subi %div3A_166, %sub3A_192 : vector<16xi32>
    %select_n3A_194 = arith.select %and3A_190, %sub3A_193, %div3A_166 : vector<16xi1>, vector<16xi32>
    %jit3A_195 = arith.constant 8 : i32
    %eq3A_196 = arith.constant 0 : i32
    %eq3A_197 = arith.cmpi eq, %jit3A_195, %eq3A_196 : i32
    %jit3A_198 = arith.constant 1 : i32
    %select_n3A_199 = arith.select %eq3A_197, %jit3A_198, %jit3A_195 : i32
    %rem3A_200 = vector.broadcast %select_n3A_199 : i32 to vector<16xi32>
    %rem3A_201 = arith.remsi %add3A_163, %rem3A_200 : vector<16xi32>
    %ne3A_202 = arith.constant 0 : i32
    %ne3A_203 = vector.broadcast %ne3A_202 : i32 to vector<16xi32>
    %ne3A_204 = arith.cmpi ne, %rem3A_201, %ne3A_203 : vector<16xi32>
    %lt3A_205 = arith.constant 0 : i32
    %lt3A_206 = vector.broadcast %lt3A_205 : i32 to vector<16xi32>
    %lt3A_207 = arith.cmpi slt, %rem3A_201, %lt3A_206 : vector<16xi32>
    %lt3A_208 = arith.constant 0 : i32
    %lt3A_209 = arith.cmpi slt, %select_n3A_199, %lt3A_208 : i32
    %ne3A_210 = vector.broadcast %lt3A_209 : i1 to vector<16xi1>
    %ne3A_211 = vector.broadcast %ne3A_210 : vector<16xi1> to vector<16xi1>
    %ne3A_212 = arith.xori %lt3A_207, %ne3A_211 : vector<16xi1>
    %and3A_213 = arith.andi %ne3A_212, %ne3A_204 : vector<16xi1>
    %add3A_214 = vector.broadcast %select_n3A_199 : i32 to vector<16xi32>
    %add3A_215 = arith.addi %rem3A_201, %add3A_214 : vector<16xi32>
    %select_n3A_216 = arith.select %and3A_213, %add3A_215, %rem3A_201 : vector<16xi1>, vector<16xi32>
    %dma_start3A = arith.constant 0 : i32
    %dma_start3A_217 = arith.constant 0 : i32
    %dma_start3A_218 = tpu.memref_slice %arg5[%dma_start3A, %dma_start3A_217] : memref<200x128xi32, #tpu.memory_space<vmem>> -> memref<1x128xi32, #tpu.memory_space<vmem>>
    %dma_start3A_219 = tpu.memref_squeeze %dma_start3A_218 : memref<1x128xi32, #tpu.memory_space<vmem>> -> memref<128xi32, #tpu.memory_space<vmem>>
    %dma_start3A_220 = arith.constant 0 : i32
    %dma_start3A_221 = arith.constant 0 : i32
    %dma_start3A_222 = tpu.memref_slice %arg3[%dma_start3A_220, %dma_start3A_221] : memref<200000x64xf32, #tpu.memory_space<hbm>> -> memref<200000x64xf32, #tpu.memory_space<hbm>>
    tpu.enqueue_indirect_dma source(%dma_start3A_222 : memref<200000x64xf32, #tpu.memory_space<hbm>>) target(%arg6 : memref<128x64xf32, #tpu.memory_space<vmem>>) offsets(%dma_start3A_219 : memref<128xi32, #tpu.memory_space<vmem>>) semaphore(%arg14 : memref<!tpu.dma_semaphore, #tpu.memory_space<semaphore_mem>>)
    %dma_start3A_223 = arith.constant 1 : i32
    %dma_start3A_224 = arith.constant 0 : i32
    %dma_start3A_225 = tpu.memref_slice %arg5[%dma_start3A_223, %dma_start3A_224] : memref<200x128xi32, #tpu.memory_space<vmem>> -> memref<1x128xi32, #tpu.memory_space<vmem>>
    %dma_start3A_226 = tpu.memref_squeeze %dma_start3A_225 : memref<1x128xi32, #tpu.memory_space<vmem>> -> memref<128xi32, #tpu.memory_space<vmem>>
    %dma_start3A_227 = arith.constant 0 : i32
    %dma_start3A_228 = arith.constant 0 : i32
    %dma_start3A_229 = tpu.memref_slice %arg3[%dma_start3A_227, %dma_start3A_228] : memref<200000x64xf32, #tpu.memory_space<hbm>> -> memref<200000x64xf32, #tpu.memory_space<hbm>>
    tpu.enqueue_indirect_dma source(%dma_start3A_229 : memref<200000x64xf32, #tpu.memory_space<hbm>>) target(%arg7 : memref<128x64xf32, #tpu.memory_space<vmem>>) offsets(%dma_start3A_226 : memref<128xi32, #tpu.memory_space<vmem>>) semaphore(%arg15 : memref<!tpu.dma_semaphore, #tpu.memory_space<semaphore_mem>>)
    %dma_start3A_230 = arith.constant 2 : i32
    %dma_start3A_231 = arith.constant 0 : i32
    %dma_start3A_232 = tpu.memref_slice %arg5[%dma_start3A_230, %dma_start3A_231] : memref<200x128xi32, #tpu.memory_space<vmem>> -> memref<1x128xi32, #tpu.memory_space<vmem>>
    %dma_start3A_233 = tpu.memref_squeeze %dma_start3A_232 : memref<1x128xi32, #tpu.memory_space<vmem>> -> memref<128xi32, #tpu.memory_space<vmem>>
    %dma_start3A_234 = arith.constant 0 : i32
    %dma_start3A_235 = arith.constant 0 : i32
    %dma_start3A_236 = tpu.memref_slice %arg3[%dma_start3A_234, %dma_start3A_235] : memref<200000x64xf32, #tpu.memory_space<hbm>> -> memref<200000x64xf32, #tpu.memory_space<hbm>>
    tpu.enqueue_indirect_dma source(%dma_start3A_236 : memref<200000x64xf32, #tpu.memory_space<hbm>>) target(%arg8 : memref<128x64xf32, #tpu.memory_space<vmem>>) offsets(%dma_start3A_233 : memref<128xi32, #tpu.memory_space<vmem>>) semaphore(%arg16 : memref<!tpu.dma_semaphore, #tpu.memory_space<semaphore_mem>>)
    %dma_start3A_237 = arith.constant 3 : i32
    %dma_start3A_238 = arith.constant 0 : i32
    %dma_start3A_239 = tpu.memref_slice %arg5[%dma_start3A_237, %dma_start3A_238] : memref<200x128xi32, #tpu.memory_space<vmem>> -> memref<1x128xi32, #tpu.memory_space<vmem>>
    %dma_start3A_240 = tpu.memref_squeeze %dma_start3A_239 : memref<1x128xi32, #tpu.memory_space<vmem>> -> memref<128xi32, #tpu.memory_space<vmem>>
    %dma_start3A_241 = arith.constant 0 : i32
    %dma_start3A_242 = arith.constant 0 : i32
    %dma_start3A_243 = tpu.memref_slice %arg3[%dma_start3A_241, %dma_start3A_242] : memref<200000x64xf32, #tpu.memory_space<hbm>> -> memref<200000x64xf32, #tpu.memory_space<hbm>>
    tpu.enqueue_indirect_dma source(%dma_start3A_243 : memref<200000x64xf32, #tpu.memory_space<hbm>>) target(%arg9 : memref<128x64xf32, #tpu.memory_space<vmem>>) offsets(%dma_start3A_240 : memref<128xi32, #tpu.memory_space<vmem>>) semaphore(%arg17 : memref<!tpu.dma_semaphore, #tpu.memory_space<semaphore_mem>>)
    %scan3A = arith.constant 0 : i32
    %scan3A_244 = arith.constant 0 : i32
    %scan3A_245 = arith.constant 50 : i32
    %scan3A_246 = arith.addi %scan3A_244, %scan3A_245 : i32
    %scan3A_247 = arith.constant 1 : i32
    scf.for %scan3A_488 = %scan3A_244 to %scan3A_246 step %scan3A_247  : i32 {
      %mul3A_489 = arith.constant 4 : i32
      %mul3A_490 = arith.muli %mul3A_489, %scan3A_488 : i32
      %dma_wait3A_491 = arith.constant 0 : i32
      %dma_wait3A_492 = arith.constant 0 : i32
      %dma_wait3A_493 = tpu.memref_slice %arg5[%dma_wait3A_491, %dma_wait3A_492] : memref<200x128xi32, #tpu.memory_space<vmem>> -> memref<1x128xi32, #tpu.memory_space<vmem>>
      %dma_wait3A_494 = tpu.memref_squeeze %dma_wait3A_493 : memref<1x128xi32, #tpu.memory_space<vmem>> -> memref<128xi32, #tpu.memory_space<vmem>>
      %dma_wait3A_495 = arith.constant 0 : i32
      %dma_wait3A_496 = arith.constant 0 : i32
      %dma_wait3A_497 = tpu.memref_slice %arg3[%dma_wait3A_495, %dma_wait3A_496] : memref<200000x64xf32, #tpu.memory_space<hbm>> -> memref<200000x64xf32, #tpu.memory_space<hbm>>
      tpu.wait_indirect_dma semaphore(%arg14 : memref<!tpu.dma_semaphore, #tpu.memory_space<semaphore_mem>>) src(%dma_wait3A_497 : memref<200000x64xf32, #tpu.memory_space<hbm>>) dst(%arg6 : memref<128x64xf32, #tpu.memory_space<vmem>>)
      %gt3A = arith.constant 0 : i32
      %gt3A_498 = arith.cmpi sgt, %scan3A_488, %gt3A : i32
      %convert_element_type3A = arith.extui %gt3A_498 : i1 to i32
      %cond3A = arith.constant 0 : i32
      %cond3A_499 = arith.cmpi ne, %convert_element_type3A, %cond3A : i32
      scf.if %cond3A_499 {
        %add3A_811 = arith.constant 0 : i32
        %add3A_812 = arith.addi %mul3A_2, %add3A_811 : i32
        %jit3A_813 = arith.constant 32 : i32
        %div3A_814 = arith.divsi %add3A_812, %jit3A_813 : i32
        %sign3A_815 = arith.constant 0 : i32
        %sign3A_816 = arith.cmpi sgt, %add3A_812, %sign3A_815 : i32
        %sign3A_817 = arith.extui %sign3A_816 : i1 to i32
        %sign3A_818 = arith.constant 0 : i32
        %sign3A_819 = arith.cmpi slt, %add3A_812, %sign3A_818 : i32
        %sign3A_820 = arith.extui %sign3A_819 : i1 to i32
        %sign3A_821 = arith.subi %sign3A_817, %sign3A_820 : i32
        %sign3A_822 = arith.constant 0 : i32
        %sign3A_823 = arith.cmpi sgt, %jit3A_813, %sign3A_822 : i32
        %sign3A_824 = arith.extui %sign3A_823 : i1 to i32
        %sign3A_825 = arith.constant 0 : i32
        %sign3A_826 = arith.cmpi slt, %jit3A_813, %sign3A_825 : i32
        %sign3A_827 = arith.extui %sign3A_826 : i1 to i32
        %sign3A_828 = arith.subi %sign3A_824, %sign3A_827 : i32
        %ne3A_829 = arith.cmpi ne, %sign3A_821, %sign3A_828 : i32
        %rem3A_830 = arith.remsi %add3A_812, %jit3A_813 : i32
        %ne3A_831 = arith.constant 0 : i32
        %ne3A_832 = arith.cmpi ne, %rem3A_830, %ne3A_831 : i32
        %and3A_833 = arith.andi %ne3A_829, %ne3A_832 : i1
        %sub3A_834 = arith.constant 1 : i32
        %sub3A_835 = arith.subi %div3A_814, %sub3A_834 : i32
        %select_n3A_836 = arith.select %and3A_833, %sub3A_835, %div3A_814 : i32
        %jit3A_837 = arith.constant 32 : i32
        %eq3A_838 = arith.constant 0 : i32
        %eq3A_839 = arith.cmpi eq, %jit3A_837, %eq3A_838 : i32
        %jit3A_840 = arith.constant 1 : i32
        %select_n3A_841 = arith.select %eq3A_839, %jit3A_840, %jit3A_837 : i32
        %rem3A_842 = arith.remsi %add3A_812, %select_n3A_841 : i32
        %ne3A_843 = arith.constant 0 : i32
        %ne3A_844 = arith.cmpi ne, %rem3A_842, %ne3A_843 : i32
        %lt3A_845 = arith.constant 0 : i32
        %lt3A_846 = arith.cmpi slt, %rem3A_842, %lt3A_845 : i32
        %lt3A_847 = arith.constant 0 : i32
        %lt3A_848 = arith.cmpi slt, %select_n3A_841, %lt3A_847 : i32
        %ne3A_849 = arith.xori %lt3A_846, %lt3A_848 : i1
        %and3A_850 = arith.andi %ne3A_849, %ne3A_844 : i1
        %add3A_851 = arith.addi %rem3A_842, %select_n3A_841 : i32
        %select_n3A_852 = arith.select %and3A_850, %add3A_851, %rem3A_842 : i32
        %dma_wait3A_853 = arith.constant 0 : i32
        %dma_wait3A_854 = arith.constant 0 : i32
        %dma_wait3A_855 = arith.constant 0 : i32
        %dma_wait3A_856 = tpu.memref_slice %arg10[%dma_wait3A_853, %dma_wait3A_854, %dma_wait3A_855] : memref<8x8x129xf32, #tpu.memory_space<vmem>> -> memref<8x8x128xf32, #tpu.memory_space<vmem>>
        %dma_wait3A_857 = arith.constant 0 : i32
        %dma_wait3A_858 = arith.constant 0 : i32
        %dma_wait3A_859 = arith.constant 0 : i32
        %dma_wait3A_860 = tpu.memref_slice %arg4[%select_n3A_836, %dma_wait3A_857, %select_n3A_852, %dma_wait3A_858, %dma_wait3A_859] : memref<200x8x32x8x128xf32, #tpu.memory_space<hbm>> -> memref<1x8x1x8x128xf32, #tpu.memory_space<hbm>>
        %dma_wait3A_861 = tpu.memref_squeeze %dma_wait3A_860 : memref<1x8x1x8x128xf32, #tpu.memory_space<hbm>> -> memref<8x8x128xf32, #tpu.memory_space<hbm>>
        %dma_wait3A_862 = arith.constant 0 : i32
        %dma_wait3A_863 = arith.constant 0 : i32
        %dma_wait3A_864 = arith.constant 0 : i32
        %dma_wait3A_865 = tpu.memref_slice %arg4[%select_n3A_836, %dma_wait3A_862, %select_n3A_852, %dma_wait3A_863, %dma_wait3A_864] : memref<200x8x32x8x128xf32, #tpu.memory_space<hbm>> -> memref<1x8x1x8x128xf32, #tpu.memory_space<hbm>>
        %dma_wait3A_866 = tpu.memref_squeeze %dma_wait3A_865 : memref<1x8x1x8x128xf32, #tpu.memory_space<hbm>> -> memref<8x8x128xf32, #tpu.memory_space<hbm>>
        %dma_wait3A_867 = arith.constant 0 : i32
        %dma_wait3A_868 = arith.constant 0 : i32
        %dma_wait3A_869 = arith.constant 0 : i32
        %dma_wait3A_870 = tpu.memref_slice %arg10[%dma_wait3A_867, %dma_wait3A_868, %dma_wait3A_869] : memref<8x8x129xf32, #tpu.memory_space<vmem>> -> memref<8x8x128xf32, #tpu.memory_space<vmem>>
        tpu.wait_dma2 semaphore(%arg18 : memref<!tpu.dma_semaphore, #tpu.memory_space<semaphore_mem>>) src(%dma_wait3A_870 : memref<8x8x128xf32, #tpu.memory_space<vmem>>) dst(%dma_wait3A_866 : memref<8x8x128xf32, #tpu.memory_space<hbm>>)
      } else {
      }
      %parallel_loop3A = arith.constant 0 : i32
      %parallel_loop3A_500 = arith.constant 128 : i32
      %parallel_loop3A_501 = arith.constant 1 : i32
      scf.for %parallel_loop3A_811 = %parallel_loop3A to %parallel_loop3A_500 step %parallel_loop3A_501  : i32 {
        %parallel_loop3A_812 = vector.broadcast %parallel_loop3A_811 : i32 to vector<16xi32>
        %parallel_loop3A_813 = arith.index_cast %parallel_loop3A_811 : i32 to index
        %parallel_loop3A_814 = arith.constant 0 : index
        %parallel_loop3A_815 = tpu.vector_load %arg6[%parallel_loop3A_813, %parallel_loop3A_814] {strides = array<i32>} : memref<128x64xf32, #tpu.memory_space<vmem>>, vector<16xf32>,
        tpu.vector_store_idx %arg10[%select_n3A, %select_n3A_48, %parallel_loop3A_812], %parallel_loop3A_815 : memref<8x8x129xf32, #tpu.memory_space<vmem>>[vector<16xi32>, vector<16xi32>, vector<16xi32>], vector<16xf32>,
        %parallel_loop3A_816 = arith.index_cast %parallel_loop3A_811 : i32 to index
        %parallel_loop3A_817 = arith.constant 16 : index
        %parallel_loop3A_818 = tpu.vector_load %arg6[%parallel_loop3A_816, %parallel_loop3A_817] {strides = array<i32>} : memref<128x64xf32, #tpu.memory_space<vmem>>, vector<16xf32>,
        tpu.vector_store_idx %arg10[%select_n3A_82, %select_n3A_104, %parallel_loop3A_812], %parallel_loop3A_818 : memref<8x8x129xf32, #tpu.memory_space<vmem>>[vector<16xi32>, vector<16xi32>, vector<16xi32>], vector<16xf32>,
        %parallel_loop3A_819 = arith.index_cast %parallel_loop3A_811 : i32 to index
        %parallel_loop3A_820 = arith.constant 32 : index
        %parallel_loop3A_821 = tpu.vector_load %arg6[%parallel_loop3A_819, %parallel_loop3A_820] {strides = array<i32>} : memref<128x64xf32, #tpu.memory_space<vmem>>, vector<16xf32>,
        tpu.vector_store_idx %arg10[%select_n3A_138, %select_n3A_160, %parallel_loop3A_812], %parallel_loop3A_821 : memref<8x8x129xf32, #tpu.memory_space<vmem>>[vector<16xi32>, vector<16xi32>, vector<16xi32>], vector<16xf32>,
        %parallel_loop3A_822 = arith.index_cast %parallel_loop3A_811 : i32 to index
        %parallel_loop3A_823 = arith.constant 48 : index
        %parallel_loop3A_824 = tpu.vector_load %arg6[%parallel_loop3A_822, %parallel_loop3A_823] {strides = array<i32>} : memref<128x64xf32, #tpu.memory_space<vmem>>, vector<16xf32>,
        tpu.vector_store_idx %arg10[%select_n3A_194, %select_n3A_216, %parallel_loop3A_812], %parallel_loop3A_824 : memref<8x8x129xf32, #tpu.memory_space<vmem>>[vector<16xi32>, vector<16xi32>, vector<16xi32>], vector<16xf32>,
      } {sc.loop_unroll_factor = 4 : i64, sc.parallel_access}
      %lt3A_502 = arith.constant 49 : i32
      %lt3A_503 = arith.cmpi slt, %scan3A_488, %lt3A_502 : i32
      %convert_element_type3A_504 = arith.extui %lt3A_503 : i1 to i32
      %cond3A_505 = arith.constant 0 : i32
      %cond3A_506 = arith.cmpi ne, %convert_element_type3A_504, %cond3A_505 : i32
      scf.if %cond3A_506 {
        %add3A_811 = arith.constant 0 : i32
        %add3A_812 = arith.addi %mul3A_490, %add3A_811 : i32
        %add3A_813 = arith.constant 4 : i32
        %add3A_814 = arith.addi %add3A_812, %add3A_813 : i32
        %dma_start3A_815 = arith.constant 0 : i32
        %dma_start3A_816 = tpu.memref_slice %arg5[%add3A_814, %dma_start3A_815] : memref<200x128xi32, #tpu.memory_space<vmem>> -> memref<1x128xi32, #tpu.memory_space<vmem>>
        %dma_start3A_817 = tpu.memref_squeeze %dma_start3A_816 : memref<1x128xi32, #tpu.memory_space<vmem>> -> memref<128xi32, #tpu.memory_space<vmem>>
        %dma_start3A_818 = arith.constant 0 : i32
        %dma_start3A_819 = arith.constant 0 : i32
        %dma_start3A_820 = tpu.memref_slice %arg3[%dma_start3A_818, %dma_start3A_819] : memref<200000x64xf32, #tpu.memory_space<hbm>> -> memref<200000x64xf32, #tpu.memory_space<hbm>>
        tpu.enqueue_indirect_dma source(%dma_start3A_820 : memref<200000x64xf32, #tpu.memory_space<hbm>>) target(%arg6 : memref<128x64xf32, #tpu.memory_space<vmem>>) offsets(%dma_start3A_817 : memref<128xi32, #tpu.memory_space<vmem>>) semaphore(%arg14 : memref<!tpu.dma_semaphore, #tpu.memory_space<semaphore_mem>>)
      } else {
      }
      %add3A_507 = arith.constant 0 : i32
      %add3A_508 = arith.addi %mul3A_490, %add3A_507 : i32
      %add3A_509 = arith.addi %mul3A_2, %add3A_508 : i32
      %jit3A_510 = arith.constant 32 : i32
      %div3A_511 = arith.divsi %add3A_509, %jit3A_510 : i32
      %sign3A_512 = arith.constant 0 : i32
      %sign3A_513 = arith.cmpi sgt, %add3A_509, %sign3A_512 : i32
      %sign3A_514 = arith.extui %sign3A_513 : i1 to i32
      %sign3A_515 = arith.constant 0 : i32
      %sign3A_516 = arith.cmpi slt, %add3A_509, %sign3A_515 : i32
      %sign3A_517 = arith.extui %sign3A_516 : i1 to i32
      %sign3A_518 = arith.subi %sign3A_514, %sign3A_517 : i32
      %sign3A_519 = arith.constant 0 : i32
      %sign3A_520 = arith.cmpi sgt, %jit3A_510, %sign3A_519 : i32
      %sign3A_521 = arith.extui %sign3A_520 : i1 to i32
      %sign3A_522 = arith.constant 0 : i32
      %sign3A_523 = arith.cmpi slt, %jit3A_510, %sign3A_522 : i32
      %sign3A_524 = arith.extui %sign3A_523 : i1 to i32
      %sign3A_525 = arith.subi %sign3A_521, %sign3A_524 : i32
      %ne3A_526 = arith.cmpi ne, %sign3A_518, %sign3A_525 : i32
      %rem3A_527 = arith.remsi %add3A_509, %jit3A_510 : i32
      %ne3A_528 = arith.constant 0 : i32
      %ne3A_529 = arith.cmpi ne, %rem3A_527, %ne3A_528 : i32
      %and3A_530 = arith.andi %ne3A_526, %ne3A_529 : i1
      %sub3A_531 = arith.constant 1 : i32
      %sub3A_532 = arith.subi %div3A_511, %sub3A_531 : i32
      %select_n3A_533 = arith.select %and3A_530, %sub3A_532, %div3A_511 : i32
      %jit3A_534 = arith.constant 32 : i32
      %eq3A_535 = arith.constant 0 : i32
      %eq3A_536 = arith.cmpi eq, %jit3A_534, %eq3A_535 : i32
      %jit3A_537 = arith.constant 1 : i32
      %select_n3A_538 = arith.select %eq3A_536, %jit3A_537, %jit3A_534 : i32
      %rem3A_539 = arith.remsi %add3A_509, %select_n3A_538 : i32
      %ne3A_540 = arith.constant 0 : i32
      %ne3A_541 = arith.cmpi ne, %rem3A_539, %ne3A_540 : i32
      %lt3A_542 = arith.constant 0 : i32
      %lt3A_543 = arith.cmpi slt, %rem3A_539, %lt3A_542 : i32
      %lt3A_544 = arith.constant 0 : i32
      %lt3A_545 = arith.cmpi slt, %select_n3A_538, %lt3A_544 : i32
      %ne3A_546 = arith.xori %lt3A_543, %lt3A_545 : i1
      %and3A_547 = arith.andi %ne3A_546, %ne3A_541 : i1
      %add3A_548 = arith.addi %rem3A_539, %select_n3A_538 : i32
      %select_n3A_549 = arith.select %and3A_547, %add3A_548, %rem3A_539 : i32
      %dma_start3A_550 = arith.constant 0 : i32
      %dma_start3A_551 = arith.constant 0 : i32
      %dma_start3A_552 = arith.constant 0 : i32
      %dma_start3A_553 = tpu.memref_slice %arg10[%dma_start3A_550, %dma_start3A_551, %dma_start3A_552] : memref<8x8x129xf32, #tpu.memory_space<vmem>> -> memref<8x8x128xf32, #tpu.memory_space<vmem>>
      %dma_start3A_554 = arith.constant 0 : i32
      %dma_start3A_555 = arith.constant 0 : i32
      %dma_start3A_556 = arith.constant 0 : i32
      %dma_start3A_557 = tpu.memref_slice %arg4[%select_n3A_533, %dma_start3A_554, %select_n3A_549, %dma_start3A_555, %dma_start3A_556] : memref<200x8x32x8x128xf32, #tpu.memory_space<hbm>> -> memref<1x8x1x8x128xf32, #tpu.memory_space<hbm>>
      %dma_start3A_558 = tpu.memref_squeeze %dma_start3A_557 : memref<1x8x1x8x128xf32, #tpu.memory_space<hbm>> -> memref<8x8x128xf32, #tpu.memory_space<hbm>>
      %dma_start3A_559 = arith.constant 0 : i32
      %dma_start3A_560 = arith.constant 0 : i32
      %dma_start3A_561 = arith.constant 0 : i32
      %dma_start3A_562 = tpu.memref_slice %arg4[%select_n3A_533, %dma_start3A_559, %select_n3A_549, %dma_start3A_560, %dma_start3A_561] : memref<200x8x32x8x128xf32, #tpu.memory_space<hbm>> -> memref<1x8x1x8x128xf32, #tpu.memory_space<hbm>>
      %dma_start3A_563 = tpu.memref_squeeze %dma_start3A_562 : memref<1x8x1x8x128xf32, #tpu.memory_space<hbm>> -> memref<8x8x128xf32, #tpu.memory_space<hbm>>
      %dma_start3A_564 = arith.constant 0 : i32
      %dma_start3A_565 = arith.constant 0 : i32
      %dma_start3A_566 = arith.constant 0 : i32
      %dma_start3A_567 = tpu.memref_slice %arg10[%dma_start3A_564, %dma_start3A_565, %dma_start3A_566] : memref<8x8x129xf32, #tpu.memory_space<vmem>> -> memref<8x8x128xf32, #tpu.memory_space<vmem>>
      tpu.enqueue_dma source(%dma_start3A_567 : memref<8x8x128xf32, #tpu.memory_space<vmem>>) target(%dma_start3A_563 : memref<8x8x128xf32, #tpu.memory_space<hbm>>) target_semaphore(%arg18 : memref<!tpu.dma_semaphore, #tpu.memory_space<semaphore_mem>>)
      %dma_wait3A_568 = arith.constant 0 : i32
      %dma_wait3A_569 = arith.constant 0 : i32
      %dma_wait3A_570 = tpu.memref_slice %arg5[%dma_wait3A_568, %dma_wait3A_569] : memref<200x128xi32, #tpu.memory_space<vmem>> -> memref<1x128xi32, #tpu.memory_space<vmem>>
      %dma_wait3A_571 = tpu.memref_squeeze %dma_wait3A_570 : memref<1x128xi32, #tpu.memory_space<vmem>> -> memref<128xi32, #tpu.memory_space<vmem>>
      %dma_wait3A_572 = arith.constant 0 : i32
      %dma_wait3A_573 = arith.constant 0 : i32
      %dma_wait3A_574 = tpu.memref_slice %arg3[%dma_wait3A_572, %dma_wait3A_573] : memref<200000x64xf32, #tpu.memory_space<hbm>> -> memref<200000x64xf32, #tpu.memory_space<hbm>>
      tpu.wait_indirect_dma semaphore(%arg15 : memref<!tpu.dma_semaphore, #tpu.memory_space<semaphore_mem>>) src(%dma_wait3A_574 : memref<200000x64xf32, #tpu.memory_space<hbm>>) dst(%arg7 : memref<128x64xf32, #tpu.memory_space<vmem>>)
      %gt3A_575 = arith.constant 0 : i32
      %gt3A_576 = arith.cmpi sgt, %scan3A_488, %gt3A_575 : i32
      %convert_element_type3A_577 = arith.extui %gt3A_576 : i1 to i32
      %cond3A_578 = arith.constant 0 : i32
      %cond3A_579 = arith.cmpi ne, %convert_element_type3A_577, %cond3A_578 : i32
      scf.if %cond3A_579 {
        %add3A_811 = arith.constant 0 : i32
        %add3A_812 = arith.addi %mul3A_2, %add3A_811 : i32
        %jit3A_813 = arith.constant 32 : i32
        %div3A_814 = arith.divsi %add3A_812, %jit3A_813 : i32
        %sign3A_815 = arith.constant 0 : i32
        %sign3A_816 = arith.cmpi sgt, %add3A_812, %sign3A_815 : i32
        %sign3A_817 = arith.extui %sign3A_816 : i1 to i32
        %sign3A_818 = arith.constant 0 : i32
        %sign3A_819 = arith.cmpi slt, %add3A_812, %sign3A_818 : i32
        %sign3A_820 = arith.extui %sign3A_819 : i1 to i32
        %sign3A_821 = arith.subi %sign3A_817, %sign3A_820 : i32
        %sign3A_822 = arith.constant 0 : i32
        %sign3A_823 = arith.cmpi sgt, %jit3A_813, %sign3A_822 : i32
        %sign3A_824 = arith.extui %sign3A_823 : i1 to i32
        %sign3A_825 = arith.constant 0 : i32
        %sign3A_826 = arith.cmpi slt, %jit3A_813, %sign3A_825 : i32
        %sign3A_827 = arith.extui %sign3A_826 : i1 to i32
        %sign3A_828 = arith.subi %sign3A_824, %sign3A_827 : i32
        %ne3A_829 = arith.cmpi ne, %sign3A_821, %sign3A_828 : i32
        %rem3A_830 = arith.remsi %add3A_812, %jit3A_813 : i32
        %ne3A_831 = arith.constant 0 : i32
        %ne3A_832 = arith.cmpi ne, %rem3A_830, %ne3A_831 : i32
        %and3A_833 = arith.andi %ne3A_829, %ne3A_832 : i1
        %sub3A_834 = arith.constant 1 : i32
        %sub3A_835 = arith.subi %div3A_814, %sub3A_834 : i32
        %select_n3A_836 = arith.select %and3A_833, %sub3A_835, %div3A_814 : i32
        %jit3A_837 = arith.constant 32 : i32
        %eq3A_838 = arith.constant 0 : i32
        %eq3A_839 = arith.cmpi eq, %jit3A_837, %eq3A_838 : i32
        %jit3A_840 = arith.constant 1 : i32
        %select_n3A_841 = arith.select %eq3A_839, %jit3A_840, %jit3A_837 : i32
        %rem3A_842 = arith.remsi %add3A_812, %select_n3A_841 : i32
        %ne3A_843 = arith.constant 0 : i32
        %ne3A_844 = arith.cmpi ne, %rem3A_842, %ne3A_843 : i32
        %lt3A_845 = arith.constant 0 : i32
        %lt3A_846 = arith.cmpi slt, %rem3A_842, %lt3A_845 : i32
        %lt3A_847 = arith.constant 0 : i32
        %lt3A_848 = arith.cmpi slt, %select_n3A_841, %lt3A_847 : i32
        %ne3A_849 = arith.xori %lt3A_846, %lt3A_848 : i1
        %and3A_850 = arith.andi %ne3A_849, %ne3A_844 : i1
        %add3A_851 = arith.addi %rem3A_842, %select_n3A_841 : i32
        %select_n3A_852 = arith.select %and3A_850, %add3A_851, %rem3A_842 : i32
        %dma_wait3A_853 = arith.constant 0 : i32
        %dma_wait3A_854 = arith.constant 0 : i32
        %dma_wait3A_855 = arith.constant 0 : i32
        %dma_wait3A_856 = tpu.memref_slice %arg11[%dma_wait3A_853, %dma_wait3A_854, %dma_wait3A_855] : memref<8x8x129xf32, #tpu.memory_space<vmem>> -> memref<8x8x128xf32, #tpu.memory_space<vmem>>
        %dma_wait3A_857 = arith.constant 0 : i32
        %dma_wait3A_858 = arith.constant 0 : i32
        %dma_wait3A_859 = arith.constant 0 : i32
        %dma_wait3A_860 = tpu.memref_slice %arg4[%select_n3A_836, %dma_wait3A_857, %select_n3A_852, %dma_wait3A_858, %dma_wait3A_859] : memref<200x8x32x8x128xf32, #tpu.memory_space<hbm>> -> memref<1x8x1x8x128xf32, #tpu.memory_space<hbm>>
        %dma_wait3A_861 = tpu.memref_squeeze %dma_wait3A_860 : memref<1x8x1x8x128xf32, #tpu.memory_space<hbm>> -> memref<8x8x128xf32, #tpu.memory_space<hbm>>
        %dma_wait3A_862 = arith.constant 0 : i32
        %dma_wait3A_863 = arith.constant 0 : i32
        %dma_wait3A_864 = arith.constant 0 : i32
        %dma_wait3A_865 = tpu.memref_slice %arg4[%select_n3A_836, %dma_wait3A_862, %select_n3A_852, %dma_wait3A_863, %dma_wait3A_864] : memref<200x8x32x8x128xf32, #tpu.memory_space<hbm>> -> memref<1x8x1x8x128xf32, #tpu.memory_space<hbm>>
        %dma_wait3A_866 = tpu.memref_squeeze %dma_wait3A_865 : memref<1x8x1x8x128xf32, #tpu.memory_space<hbm>> -> memref<8x8x128xf32, #tpu.memory_space<hbm>>
        %dma_wait3A_867 = arith.constant 0 : i32
        %dma_wait3A_868 = arith.constant 0 : i32
        %dma_wait3A_869 = arith.constant 0 : i32
        %dma_wait3A_870 = tpu.memref_slice %arg11[%dma_wait3A_867, %dma_wait3A_868, %dma_wait3A_869] : memref<8x8x129xf32, #tpu.memory_space<vmem>> -> memref<8x8x128xf32, #tpu.memory_space<vmem>>
        tpu.wait_dma2 semaphore(%arg19 : memref<!tpu.dma_semaphore, #tpu.memory_space<semaphore_mem>>) src(%dma_wait3A_870 : memref<8x8x128xf32, #tpu.memory_space<vmem>>) dst(%dma_wait3A_866 : memref<8x8x128xf32, #tpu.memory_space<hbm>>)
      } else {
      }
      %parallel_loop3A_580 = arith.constant 0 : i32
      %parallel_loop3A_581 = arith.constant 128 : i32
      %parallel_loop3A_582 = arith.constant 1 : i32
      scf.for %parallel_loop3A_811 = %parallel_loop3A_580 to %parallel_loop3A_581 step %parallel_loop3A_582  : i32 {
        %parallel_loop3A_812 = vector.broadcast %parallel_loop3A_811 : i32 to vector<16xi32>
        %parallel_loop3A_813 = arith.index_cast %parallel_loop3A_811 : i32 to index
        %parallel_loop3A_814 = arith.constant 0 : index
        %parallel_loop3A_815 = tpu.vector_load %arg7[%parallel_loop3A_813, %parallel_loop3A_814] {strides = array<i32>} : memref<128x64xf32, #tpu.memory_space<vmem>>, vector<16xf32>,
        tpu.vector_store_idx %arg11[%select_n3A, %select_n3A_48, %parallel_loop3A_812], %parallel_loop3A_815 : memref<8x8x129xf32, #tpu.memory_space<vmem>>[vector<16xi32>, vector<16xi32>, vector<16xi32>], vector<16xf32>,
        %parallel_loop3A_816 = arith.index_cast %parallel_loop3A_811 : i32 to index
        %parallel_loop3A_817 = arith.constant 16 : index
        %parallel_loop3A_818 = tpu.vector_load %arg7[%parallel_loop3A_816, %parallel_loop3A_817] {strides = array<i32>} : memref<128x64xf32, #tpu.memory_space<vmem>>, vector<16xf32>,
        tpu.vector_store_idx %arg11[%select_n3A_82, %select_n3A_104, %parallel_loop3A_812], %parallel_loop3A_818 : memref<8x8x129xf32, #tpu.memory_space<vmem>>[vector<16xi32>, vector<16xi32>, vector<16xi32>], vector<16xf32>,
        %parallel_loop3A_819 = arith.index_cast %parallel_loop3A_811 : i32 to index
        %parallel_loop3A_820 = arith.constant 32 : index
        %parallel_loop3A_821 = tpu.vector_load %arg7[%parallel_loop3A_819, %parallel_loop3A_820] {strides = array<i32>} : memref<128x64xf32, #tpu.memory_space<vmem>>, vector<16xf32>,
        tpu.vector_store_idx %arg11[%select_n3A_138, %select_n3A_160, %parallel_loop3A_812], %parallel_loop3A_821 : memref<8x8x129xf32, #tpu.memory_space<vmem>>[vector<16xi32>, vector<16xi32>, vector<16xi32>], vector<16xf32>,
        %parallel_loop3A_822 = arith.index_cast %parallel_loop3A_811 : i32 to index
        %parallel_loop3A_823 = arith.constant 48 : index
        %parallel_loop3A_824 = tpu.vector_load %arg7[%parallel_loop3A_822, %parallel_loop3A_823] {strides = array<i32>} : memref<128x64xf32, #tpu.memory_space<vmem>>, vector<16xf32>,
        tpu.vector_store_idx %arg11[%select_n3A_194, %select_n3A_216, %parallel_loop3A_812], %parallel_loop3A_824 : memref<8x8x129xf32, #tpu.memory_space<vmem>>[vector<16xi32>, vector<16xi32>, vector<16xi32>], vector<16xf32>,
      } {sc.loop_unroll_factor = 4 : i64, sc.parallel_access}
      %lt3A_583 = arith.constant 49 : i32
      %lt3A_584 = arith.cmpi slt, %scan3A_488, %lt3A_583 : i32
      %convert_element_type3A_585 = arith.extui %lt3A_584 : i1 to i32
      %cond3A_586 = arith.constant 0 : i32
      %cond3A_587 = arith.cmpi ne, %convert_element_type3A_585, %cond3A_586 : i32
      scf.if %cond3A_587 {
        %add3A_811 = arith.constant 1 : i32
        %add3A_812 = arith.addi %mul3A_490, %add3A_811 : i32
        %add3A_813 = arith.constant 4 : i32
        %add3A_814 = arith.addi %add3A_812, %add3A_813 : i32
        %dma_start3A_815 = arith.constant 0 : i32
        %dma_start3A_816 = tpu.memref_slice %arg5[%add3A_814, %dma_start3A_815] : memref<200x128xi32, #tpu.memory_space<vmem>> -> memref<1x128xi32, #tpu.memory_space<vmem>>
        %dma_start3A_817 = tpu.memref_squeeze %dma_start3A_816 : memref<1x128xi32, #tpu.memory_space<vmem>> -> memref<128xi32, #tpu.memory_space<vmem>>
        %dma_start3A_818 = arith.constant 0 : i32
        %dma_start3A_819 = arith.constant 0 : i32
        %dma_start3A_820 = tpu.memref_slice %arg3[%dma_start3A_818, %dma_start3A_819] : memref<200000x64xf32, #tpu.memory_space<hbm>> -> memref<200000x64xf32, #tpu.memory_space<hbm>>
        tpu.enqueue_indirect_dma source(%dma_start3A_820 : memref<200000x64xf32, #tpu.memory_space<hbm>>) target(%arg7 : memref<128x64xf32, #tpu.memory_space<vmem>>) offsets(%dma_start3A_817 : memref<128xi32, #tpu.memory_space<vmem>>) semaphore(%arg15 : memref<!tpu.dma_semaphore, #tpu.memory_space<semaphore_mem>>)
      } else {
      }
      %add3A_588 = arith.constant 1 : i32
      %add3A_589 = arith.addi %mul3A_490, %add3A_588 : i32
      %add3A_590 = arith.addi %mul3A_2, %add3A_589 : i32
      %jit3A_591 = arith.constant 32 : i32
      %div3A_592 = arith.divsi %add3A_590, %jit3A_591 : i32
      %sign3A_593 = arith.constant 0 : i32
      %sign3A_594 = arith.cmpi sgt, %add3A_590, %sign3A_593 : i32
      %sign3A_595 = arith.extui %sign3A_594 : i1 to i32
      %sign3A_596 = arith.constant 0 : i32
      %sign3A_597 = arith.cmpi slt, %add3A_590, %sign3A_596 : i32
      %sign3A_598 = arith.extui %sign3A_597 : i1 to i32
      %sign3A_599 = arith.subi %sign3A_595, %sign3A_598 : i32
      %sign3A_600 = arith.constant 0 : i32
      %sign3A_601 = arith.cmpi sgt, %jit3A_591, %sign3A_600 : i32
      %sign3A_602 = arith.extui %sign3A_601 : i1 to i32
      %sign3A_603 = arith.constant 0 : i32
      %sign3A_604 = arith.cmpi slt, %jit3A_591, %sign3A_603 : i32
      %sign3A_605 = arith.extui %sign3A_604 : i1 to i32
      %sign3A_606 = arith.subi %sign3A_602, %sign3A_605 : i32
      %ne3A_607 = arith.cmpi ne, %sign3A_599, %sign3A_606 : i32
      %rem3A_608 = arith.remsi %add3A_590, %jit3A_591 : i32
      %ne3A_609 = arith.constant 0 : i32
      %ne3A_610 = arith.cmpi ne, %rem3A_608, %ne3A_609 : i32
      %and3A_611 = arith.andi %ne3A_607, %ne3A_610 : i1
      %sub3A_612 = arith.constant 1 : i32
      %sub3A_613 = arith.subi %div3A_592, %sub3A_612 : i32
      %select_n3A_614 = arith.select %and3A_611, %sub3A_613, %div3A_592 : i32
      %jit3A_615 = arith.constant 32 : i32
      %eq3A_616 = arith.constant 0 : i32
      %eq3A_617 = arith.cmpi eq, %jit3A_615, %eq3A_616 : i32
      %jit3A_618 = arith.constant 1 : i32
      %select_n3A_619 = arith.select %eq3A_617, %jit3A_618, %jit3A_615 : i32
      %rem3A_620 = arith.remsi %add3A_590, %select_n3A_619 : i32
      %ne3A_621 = arith.constant 0 : i32
      %ne3A_622 = arith.cmpi ne, %rem3A_620, %ne3A_621 : i32
      %lt3A_623 = arith.constant 0 : i32
      %lt3A_624 = arith.cmpi slt, %rem3A_620, %lt3A_623 : i32
      %lt3A_625 = arith.constant 0 : i32
      %lt3A_626 = arith.cmpi slt, %select_n3A_619, %lt3A_625 : i32
      %ne3A_627 = arith.xori %lt3A_624, %lt3A_626 : i1
      %and3A_628 = arith.andi %ne3A_627, %ne3A_622 : i1
      %add3A_629 = arith.addi %rem3A_620, %select_n3A_619 : i32
      %select_n3A_630 = arith.select %and3A_628, %add3A_629, %rem3A_620 : i32
      %dma_start3A_631 = arith.constant 0 : i32
      %dma_start3A_632 = arith.constant 0 : i32
      %dma_start3A_633 = arith.constant 0 : i32
      %dma_start3A_634 = tpu.memref_slice %arg11[%dma_start3A_631, %dma_start3A_632, %dma_start3A_633] : memref<8x8x129xf32, #tpu.memory_space<vmem>> -> memref<8x8x128xf32, #tpu.memory_space<vmem>>
      %dma_start3A_635 = arith.constant 0 : i32
      %dma_start3A_636 = arith.constant 0 : i32
      %dma_start3A_637 = arith.constant 0 : i32
      %dma_start3A_638 = tpu.memref_slice %arg4[%select_n3A_614, %dma_start3A_635, %select_n3A_630, %dma_start3A_636, %dma_start3A_637] : memref<200x8x32x8x128xf32, #tpu.memory_space<hbm>> -> memref<1x8x1x8x128xf32, #tpu.memory_space<hbm>>
      %dma_start3A_639 = tpu.memref_squeeze %dma_start3A_638 : memref<1x8x1x8x128xf32, #tpu.memory_space<hbm>> -> memref<8x8x128xf32, #tpu.memory_space<hbm>>
      %dma_start3A_640 = arith.constant 0 : i32
      %dma_start3A_641 = arith.constant 0 : i32
      %dma_start3A_642 = arith.constant 0 : i32
      %dma_start3A_643 = tpu.memref_slice %arg4[%select_n3A_614, %dma_start3A_640, %select_n3A_630, %dma_start3A_641, %dma_start3A_642] : memref<200x8x32x8x128xf32, #tpu.memory_space<hbm>> -> memref<1x8x1x8x128xf32, #tpu.memory_space<hbm>>
      %dma_start3A_644 = tpu.memref_squeeze %dma_start3A_643 : memref<1x8x1x8x128xf32, #tpu.memory_space<hbm>> -> memref<8x8x128xf32, #tpu.memory_space<hbm>>
      %dma_start3A_645 = arith.constant 0 : i32
      %dma_start3A_646 = arith.constant 0 : i32
      %dma_start3A_647 = arith.constant 0 : i32
      %dma_start3A_648 = tpu.memref_slice %arg11[%dma_start3A_645, %dma_start3A_646, %dma_start3A_647] : memref<8x8x129xf32, #tpu.memory_space<vmem>> -> memref<8x8x128xf32, #tpu.memory_space<vmem>>
      tpu.enqueue_dma source(%dma_start3A_648 : memref<8x8x128xf32, #tpu.memory_space<vmem>>) target(%dma_start3A_644 : memref<8x8x128xf32, #tpu.memory_space<hbm>>) target_semaphore(%arg19 : memref<!tpu.dma_semaphore, #tpu.memory_space<semaphore_mem>>)
      %dma_wait3A_649 = arith.constant 0 : i32
      %dma_wait3A_650 = arith.constant 0 : i32
      %dma_wait3A_651 = tpu.memref_slice %arg5[%dma_wait3A_649, %dma_wait3A_650] : memref<200x128xi32, #tpu.memory_space<vmem>> -> memref<1x128xi32, #tpu.memory_space<vmem>>
      %dma_wait3A_652 = tpu.memref_squeeze %dma_wait3A_651 : memref<1x128xi32, #tpu.memory_space<vmem>> -> memref<128xi32, #tpu.memory_space<vmem>>
      %dma_wait3A_653 = arith.constant 0 : i32
      %dma_wait3A_654 = arith.constant 0 : i32
      %dma_wait3A_655 = tpu.memref_slice %arg3[%dma_wait3A_653, %dma_wait3A_654] : memref<200000x64xf32, #tpu.memory_space<hbm>> -> memref<200000x64xf32, #tpu.memory_space<hbm>>
      tpu.wait_indirect_dma semaphore(%arg16 : memref<!tpu.dma_semaphore, #tpu.memory_space<semaphore_mem>>) src(%dma_wait3A_655 : memref<200000x64xf32, #tpu.memory_space<hbm>>) dst(%arg8 : memref<128x64xf32, #tpu.memory_space<vmem>>)
      %gt3A_656 = arith.constant 0 : i32
      %gt3A_657 = arith.cmpi sgt, %scan3A_488, %gt3A_656 : i32
      %convert_element_type3A_658 = arith.extui %gt3A_657 : i1 to i32
      %cond3A_659 = arith.constant 0 : i32
      %cond3A_660 = arith.cmpi ne, %convert_element_type3A_658, %cond3A_659 : i32
      scf.if %cond3A_660 {
        %add3A_811 = arith.constant 0 : i32
        %add3A_812 = arith.addi %mul3A_2, %add3A_811 : i32
        %jit3A_813 = arith.constant 32 : i32
        %div3A_814 = arith.divsi %add3A_812, %jit3A_813 : i32
        %sign3A_815 = arith.constant 0 : i32
        %sign3A_816 = arith.cmpi sgt, %add3A_812, %sign3A_815 : i32
        %sign3A_817 = arith.extui %sign3A_816 : i1 to i32
        %sign3A_818 = arith.constant 0 : i32
        %sign3A_819 = arith.cmpi slt, %add3A_812, %sign3A_818 : i32
        %sign3A_820 = arith.extui %sign3A_819 : i1 to i32
        %sign3A_821 = arith.subi %sign3A_817, %sign3A_820 : i32
        %sign3A_822 = arith.constant 0 : i32
        %sign3A_823 = arith.cmpi sgt, %jit3A_813, %sign3A_822 : i32
        %sign3A_824 = arith.extui %sign3A_823 : i1 to i32
        %sign3A_825 = arith.constant 0 : i32
        %sign3A_826 = arith.cmpi slt, %jit3A_813, %sign3A_825 : i32
        %sign3A_827 = arith.extui %sign3A_826 : i1 to i32
        %sign3A_828 = arith.subi %sign3A_824, %sign3A_827 : i32
        %ne3A_829 = arith.cmpi ne, %sign3A_821, %sign3A_828 : i32
        %rem3A_830 = arith.remsi %add3A_812, %jit3A_813 : i32
        %ne3A_831 = arith.constant 0 : i32
        %ne3A_832 = arith.cmpi ne, %rem3A_830, %ne3A_831 : i32
        %and3A_833 = arith.andi %ne3A_829, %ne3A_832 : i1
        %sub3A_834 = arith.constant 1 : i32
        %sub3A_835 = arith.subi %div3A_814, %sub3A_834 : i32
        %select_n3A_836 = arith.select %and3A_833, %sub3A_835, %div3A_814 : i32
        %jit3A_837 = arith.constant 32 : i32
        %eq3A_838 = arith.constant 0 : i32
        %eq3A_839 = arith.cmpi eq, %jit3A_837, %eq3A_838 : i32
        %jit3A_840 = arith.constant 1 : i32
        %select_n3A_841 = arith.select %eq3A_839, %jit3A_840, %jit3A_837 : i32
        %rem3A_842 = arith.remsi %add3A_812, %select_n3A_841 : i32
        %ne3A_843 = arith.constant 0 : i32
        %ne3A_844 = arith.cmpi ne, %rem3A_842, %ne3A_843 : i32
        %lt3A_845 = arith.constant 0 : i32
        %lt3A_846 = arith.cmpi slt, %rem3A_842, %lt3A_845 : i32
        %lt3A_847 = arith.constant 0 : i32
        %lt3A_848 = arith.cmpi slt, %select_n3A_841, %lt3A_847 : i32
        %ne3A_849 = arith.xori %lt3A_846, %lt3A_848 : i1
        %and3A_850 = arith.andi %ne3A_849, %ne3A_844 : i1
        %add3A_851 = arith.addi %rem3A_842, %select_n3A_841 : i32
        %select_n3A_852 = arith.select %and3A_850, %add3A_851, %rem3A_842 : i32
        %dma_wait3A_853 = arith.constant 0 : i32
        %dma_wait3A_854 = arith.constant 0 : i32
        %dma_wait3A_855 = arith.constant 0 : i32
        %dma_wait3A_856 = tpu.memref_slice %arg12[%dma_wait3A_853, %dma_wait3A_854, %dma_wait3A_855] : memref<8x8x129xf32, #tpu.memory_space<vmem>> -> memref<8x8x128xf32, #tpu.memory_space<vmem>>
        %dma_wait3A_857 = arith.constant 0 : i32
        %dma_wait3A_858 = arith.constant 0 : i32
        %dma_wait3A_859 = arith.constant 0 : i32
        %dma_wait3A_860 = tpu.memref_slice %arg4[%select_n3A_836, %dma_wait3A_857, %select_n3A_852, %dma_wait3A_858, %dma_wait3A_859] : memref<200x8x32x8x128xf32, #tpu.memory_space<hbm>> -> memref<1x8x1x8x128xf32, #tpu.memory_space<hbm>>
        %dma_wait3A_861 = tpu.memref_squeeze %dma_wait3A_860 : memref<1x8x1x8x128xf32, #tpu.memory_space<hbm>> -> memref<8x8x128xf32, #tpu.memory_space<hbm>>
        %dma_wait3A_862 = arith.constant 0 : i32
        %dma_wait3A_863 = arith.constant 0 : i32
        %dma_wait3A_864 = arith.constant 0 : i32
        %dma_wait3A_865 = tpu.memref_slice %arg4[%select_n3A_836, %dma_wait3A_862, %select_n3A_852, %dma_wait3A_863, %dma_wait3A_864] : memref<200x8x32x8x128xf32, #tpu.memory_space<hbm>> -> memref<1x8x1x8x128xf32, #tpu.memory_space<hbm>>
        %dma_wait3A_866 = tpu.memref_squeeze %dma_wait3A_865 : memref<1x8x1x8x128xf32, #tpu.memory_space<hbm>> -> memref<8x8x128xf32, #tpu.memory_space<hbm>>
        %dma_wait3A_867 = arith.constant 0 : i32
        %dma_wait3A_868 = arith.constant 0 : i32
        %dma_wait3A_869 = arith.constant 0 : i32
        %dma_wait3A_870 = tpu.memref_slice %arg12[%dma_wait3A_867, %dma_wait3A_868, %dma_wait3A_869] : memref<8x8x129xf32, #tpu.memory_space<vmem>> -> memref<8x8x128xf32, #tpu.memory_space<vmem>>
        tpu.wait_dma2 semaphore(%arg20 : memref<!tpu.dma_semaphore, #tpu.memory_space<semaphore_mem>>) src(%dma_wait3A_870 : memref<8x8x128xf32, #tpu.memory_space<vmem>>) dst(%dma_wait3A_866 : memref<8x8x128xf32, #tpu.memory_space<hbm>>)
      } else {
      }
      %parallel_loop3A_661 = arith.constant 0 : i32
      %parallel_loop3A_662 = arith.constant 128 : i32
      %parallel_loop3A_663 = arith.constant 1 : i32
      scf.for %parallel_loop3A_811 = %parallel_loop3A_661 to %parallel_loop3A_662 step %parallel_loop3A_663  : i32 {
        %parallel_loop3A_812 = vector.broadcast %parallel_loop3A_811 : i32 to vector<16xi32>
        %parallel_loop3A_813 = arith.index_cast %parallel_loop3A_811 : i32 to index
        %parallel_loop3A_814 = arith.constant 0 : index
        %parallel_loop3A_815 = tpu.vector_load %arg8[%parallel_loop3A_813, %parallel_loop3A_814] {strides = array<i32>} : memref<128x64xf32, #tpu.memory_space<vmem>>, vector<16xf32>,
        tpu.vector_store_idx %arg12[%select_n3A, %select_n3A_48, %parallel_loop3A_812], %parallel_loop3A_815 : memref<8x8x129xf32, #tpu.memory_space<vmem>>[vector<16xi32>, vector<16xi32>, vector<16xi32>], vector<16xf32>,
        %parallel_loop3A_816 = arith.index_cast %parallel_loop3A_811 : i32 to index
        %parallel_loop3A_817 = arith.constant 16 : index
        %parallel_loop3A_818 = tpu.vector_load %arg8[%parallel_loop3A_816, %parallel_loop3A_817] {strides = array<i32>} : memref<128x64xf32, #tpu.memory_space<vmem>>, vector<16xf32>,
        tpu.vector_store_idx %arg12[%select_n3A_82, %select_n3A_104, %parallel_loop3A_812], %parallel_loop3A_818 : memref<8x8x129xf32, #tpu.memory_space<vmem>>[vector<16xi32>, vector<16xi32>, vector<16xi32>], vector<16xf32>,
        %parallel_loop3A_819 = arith.index_cast %parallel_loop3A_811 : i32 to index
        %parallel_loop3A_820 = arith.constant 32 : index
        %parallel_loop3A_821 = tpu.vector_load %arg8[%parallel_loop3A_819, %parallel_loop3A_820] {strides = array<i32>} : memref<128x64xf32, #tpu.memory_space<vmem>>, vector<16xf32>,
        tpu.vector_store_idx %arg12[%select_n3A_138, %select_n3A_160, %parallel_loop3A_812], %parallel_loop3A_821 : memref<8x8x129xf32, #tpu.memory_space<vmem>>[vector<16xi32>, vector<16xi32>, vector<16xi32>], vector<16xf32>,
        %parallel_loop3A_822 = arith.index_cast %parallel_loop3A_811 : i32 to index
        %parallel_loop3A_823 = arith.constant 48 : index
        %parallel_loop3A_824 = tpu.vector_load %arg8[%parallel_loop3A_822, %parallel_loop3A_823] {strides = array<i32>} : memref<128x64xf32, #tpu.memory_space<vmem>>, vector<16xf32>,
        tpu.vector_store_idx %arg12[%select_n3A_194, %select_n3A_216, %parallel_loop3A_812], %parallel_loop3A_824 : memref<8x8x129xf32, #tpu.memory_space<vmem>>[vector<16xi32>, vector<16xi32>, vector<16xi32>], vector<16xf32>,
      } {sc.loop_unroll_factor = 4 : i64, sc.parallel_access}
      %lt3A_664 = arith.constant 49 : i32
      %lt3A_665 = arith.cmpi slt, %scan3A_488, %lt3A_664 : i32
      %convert_element_type3A_666 = arith.extui %lt3A_665 : i1 to i32
      %cond3A_667 = arith.constant 0 : i32
      %cond3A_668 = arith.cmpi ne, %convert_element_type3A_666, %cond3A_667 : i32
      scf.if %cond3A_668 {
        %add3A_811 = arith.constant 2 : i32
        %add3A_812 = arith.addi %mul3A_490, %add3A_811 : i32
        %add3A_813 = arith.constant 4 : i32
        %add3A_814 = arith.addi %add3A_812, %add3A_813 : i32
        %dma_start3A_815 = arith.constant 0 : i32
        %dma_start3A_816 = tpu.memref_slice %arg5[%add3A_814, %dma_start3A_815] : memref<200x128xi32, #tpu.memory_space<vmem>> -> memref<1x128xi32, #tpu.memory_space<vmem>>
        %dma_start3A_817 = tpu.memref_squeeze %dma_start3A_816 : memref<1x128xi32, #tpu.memory_space<vmem>> -> memref<128xi32, #tpu.memory_space<vmem>>
        %dma_start3A_818 = arith.constant 0 : i32
        %dma_start3A_819 = arith.constant 0 : i32
        %dma_start3A_820 = tpu.memref_slice %arg3[%dma_start3A_818, %dma_start3A_819] : memref<200000x64xf32, #tpu.memory_space<hbm>> -> memref<200000x64xf32, #tpu.memory_space<hbm>>
        tpu.enqueue_indirect_dma source(%dma_start3A_820 : memref<200000x64xf32, #tpu.memory_space<hbm>>) target(%arg8 : memref<128x64xf32, #tpu.memory_space<vmem>>) offsets(%dma_start3A_817 : memref<128xi32, #tpu.memory_space<vmem>>) semaphore(%arg16 : memref<!tpu.dma_semaphore, #tpu.memory_space<semaphore_mem>>)
      } else {
      }
      %add3A_669 = arith.constant 2 : i32
      %add3A_670 = arith.addi %mul3A_490, %add3A_669 : i32
      %add3A_671 = arith.addi %mul3A_2, %add3A_670 : i32
      %jit3A_672 = arith.constant 32 : i32
      %div3A_673 = arith.divsi %add3A_671, %jit3A_672 : i32
      %sign3A_674 = arith.constant 0 : i32
      %sign3A_675 = arith.cmpi sgt, %add3A_671, %sign3A_674 : i32
      %sign3A_676 = arith.extui %sign3A_675 : i1 to i32
      %sign3A_677 = arith.constant 0 : i32
      %sign3A_678 = arith.cmpi slt, %add3A_671, %sign3A_677 : i32
      %sign3A_679 = arith.extui %sign3A_678 : i1 to i32
      %sign3A_680 = arith.subi %sign3A_676, %sign3A_679 : i32
      %sign3A_681 = arith.constant 0 : i32
      %sign3A_682 = arith.cmpi sgt, %jit3A_672, %sign3A_681 : i32
      %sign3A_683 = arith.extui %sign3A_682 : i1 to i32
      %sign3A_684 = arith.constant 0 : i32
      %sign3A_685 = arith.cmpi slt, %jit3A_672, %sign3A_684 : i32
      %sign3A_686 = arith.extui %sign3A_685 : i1 to i32
      %sign3A_687 = arith.subi %sign3A_683, %sign3A_686 : i32
      %ne3A_688 = arith.cmpi ne, %sign3A_680, %sign3A_687 : i32
      %rem3A_689 = arith.remsi %add3A_671, %jit3A_672 : i32
      %ne3A_690 = arith.constant 0 : i32
      %ne3A_691 = arith.cmpi ne, %rem3A_689, %ne3A_690 : i32
      %and3A_692 = arith.andi %ne3A_688, %ne3A_691 : i1
      %sub3A_693 = arith.constant 1 : i32
      %sub3A_694 = arith.subi %div3A_673, %sub3A_693 : i32
      %select_n3A_695 = arith.select %and3A_692, %sub3A_694, %div3A_673 : i32
      %jit3A_696 = arith.constant 32 : i32
      %eq3A_697 = arith.constant 0 : i32
      %eq3A_698 = arith.cmpi eq, %jit3A_696, %eq3A_697 : i32
      %jit3A_699 = arith.constant 1 : i32
      %select_n3A_700 = arith.select %eq3A_698, %jit3A_699, %jit3A_696 : i32
      %rem3A_701 = arith.remsi %add3A_671, %select_n3A_700 : i32
      %ne3A_702 = arith.constant 0 : i32
      %ne3A_703 = arith.cmpi ne, %rem3A_701, %ne3A_702 : i32
      %lt3A_704 = arith.constant 0 : i32
      %lt3A_705 = arith.cmpi slt, %rem3A_701, %lt3A_704 : i32
      %lt3A_706 = arith.constant 0 : i32
      %lt3A_707 = arith.cmpi slt, %select_n3A_700, %lt3A_706 : i32
      %ne3A_708 = arith.xori %lt3A_705, %lt3A_707 : i1
      %and3A_709 = arith.andi %ne3A_708, %ne3A_703 : i1
      %add3A_710 = arith.addi %rem3A_701, %select_n3A_700 : i32
      %select_n3A_711 = arith.select %and3A_709, %add3A_710, %rem3A_701 : i32
      %dma_start3A_712 = arith.constant 0 : i32
      %dma_start3A_713 = arith.constant 0 : i32
      %dma_start3A_714 = arith.constant 0 : i32
      %dma_start3A_715 = tpu.memref_slice %arg12[%dma_start3A_712, %dma_start3A_713, %dma_start3A_714] : memref<8x8x129xf32, #tpu.memory_space<vmem>> -> memref<8x8x128xf32, #tpu.memory_space<vmem>>
      %dma_start3A_716 = arith.constant 0 : i32
      %dma_start3A_717 = arith.constant 0 : i32
      %dma_start3A_718 = arith.constant 0 : i32
      %dma_start3A_719 = tpu.memref_slice %arg4[%select_n3A_695, %dma_start3A_716, %select_n3A_711, %dma_start3A_717, %dma_start3A_718] : memref<200x8x32x8x128xf32, #tpu.memory_space<hbm>> -> memref<1x8x1x8x128xf32, #tpu.memory_space<hbm>>
      %dma_start3A_720 = tpu.memref_squeeze %dma_start3A_719 : memref<1x8x1x8x128xf32, #tpu.memory_space<hbm>> -> memref<8x8x128xf32, #tpu.memory_space<hbm>>
      %dma_start3A_721 = arith.constant 0 : i32
      %dma_start3A_722 = arith.constant 0 : i32
      %dma_start3A_723 = arith.constant 0 : i32
      %dma_start3A_724 = tpu.memref_slice %arg4[%select_n3A_695, %dma_start3A_721, %select_n3A_711, %dma_start3A_722, %dma_start3A_723] : memref<200x8x32x8x128xf32, #tpu.memory_space<hbm>> -> memref<1x8x1x8x128xf32, #tpu.memory_space<hbm>>
      %dma_start3A_725 = tpu.memref_squeeze %dma_start3A_724 : memref<1x8x1x8x128xf32, #tpu.memory_space<hbm>> -> memref<8x8x128xf32, #tpu.memory_space<hbm>>
      %dma_start3A_726 = arith.constant 0 : i32
      %dma_start3A_727 = arith.constant 0 : i32
      %dma_start3A_728 = arith.constant 0 : i32
      %dma_start3A_729 = tpu.memref_slice %arg12[%dma_start3A_726, %dma_start3A_727, %dma_start3A_728] : memref<8x8x129xf32, #tpu.memory_space<vmem>> -> memref<8x8x128xf32, #tpu.memory_space<vmem>>
      tpu.enqueue_dma source(%dma_start3A_729 : memref<8x8x128xf32, #tpu.memory_space<vmem>>) target(%dma_start3A_725 : memref<8x8x128xf32, #tpu.memory_space<hbm>>) target_semaphore(%arg20 : memref<!tpu.dma_semaphore, #tpu.memory_space<semaphore_mem>>)
      %dma_wait3A_730 = arith.constant 0 : i32
      %dma_wait3A_731 = arith.constant 0 : i32
      %dma_wait3A_732 = tpu.memref_slice %arg5[%dma_wait3A_730, %dma_wait3A_731] : memref<200x128xi32, #tpu.memory_space<vmem>> -> memref<1x128xi32, #tpu.memory_space<vmem>>
      %dma_wait3A_733 = tpu.memref_squeeze %dma_wait3A_732 : memref<1x128xi32, #tpu.memory_space<vmem>> -> memref<128xi32, #tpu.memory_space<vmem>>
      %dma_wait3A_734 = arith.constant 0 : i32
      %dma_wait3A_735 = arith.constant 0 : i32
      %dma_wait3A_736 = tpu.memref_slice %arg3[%dma_wait3A_734, %dma_wait3A_735] : memref<200000x64xf32, #tpu.memory_space<hbm>> -> memref<200000x64xf32, #tpu.memory_space<hbm>>
      tpu.wait_indirect_dma semaphore(%arg17 : memref<!tpu.dma_semaphore, #tpu.memory_space<semaphore_mem>>) src(%dma_wait3A_736 : memref<200000x64xf32, #tpu.memory_space<hbm>>) dst(%arg9 : memref<128x64xf32, #tpu.memory_space<vmem>>)
      %gt3A_737 = arith.constant 0 : i32
      %gt3A_738 = arith.cmpi sgt, %scan3A_488, %gt3A_737 : i32
      %convert_element_type3A_739 = arith.extui %gt3A_738 : i1 to i32
      %cond3A_740 = arith.constant 0 : i32
      %cond3A_741 = arith.cmpi ne, %convert_element_type3A_739, %cond3A_740 : i32
      scf.if %cond3A_741 {
        %add3A_811 = arith.constant 0 : i32
        %add3A_812 = arith.addi %mul3A_2, %add3A_811 : i32
        %jit3A_813 = arith.constant 32 : i32
        %div3A_814 = arith.divsi %add3A_812, %jit3A_813 : i32
        %sign3A_815 = arith.constant 0 : i32
        %sign3A_816 = arith.cmpi sgt, %add3A_812, %sign3A_815 : i32
        %sign3A_817 = arith.extui %sign3A_816 : i1 to i32
        %sign3A_818 = arith.constant 0 : i32
        %sign3A_819 = arith.cmpi slt, %add3A_812, %sign3A_818 : i32
        %sign3A_820 = arith.extui %sign3A_819 : i1 to i32
        %sign3A_821 = arith.subi %sign3A_817, %sign3A_820 : i32
        %sign3A_822 = arith.constant 0 : i32
        %sign3A_823 = arith.cmpi sgt, %jit3A_813, %sign3A_822 : i32
        %sign3A_824 = arith.extui %sign3A_823 : i1 to i32
        %sign3A_825 = arith.constant 0 : i32
        %sign3A_826 = arith.cmpi slt, %jit3A_813, %sign3A_825 : i32
        %sign3A_827 = arith.extui %sign3A_826 : i1 to i32
        %sign3A_828 = arith.subi %sign3A_824, %sign3A_827 : i32
        %ne3A_829 = arith.cmpi ne, %sign3A_821, %sign3A_828 : i32
        %rem3A_830 = arith.remsi %add3A_812, %jit3A_813 : i32
        %ne3A_831 = arith.constant 0 : i32
        %ne3A_832 = arith.cmpi ne, %rem3A_830, %ne3A_831 : i32
        %and3A_833 = arith.andi %ne3A_829, %ne3A_832 : i1
        %sub3A_834 = arith.constant 1 : i32
        %sub3A_835 = arith.subi %div3A_814, %sub3A_834 : i32
        %select_n3A_836 = arith.select %and3A_833, %sub3A_835, %div3A_814 : i32
        %jit3A_837 = arith.constant 32 : i32
        %eq3A_838 = arith.constant 0 : i32
        %eq3A_839 = arith.cmpi eq, %jit3A_837, %eq3A_838 : i32
        %jit3A_840 = arith.constant 1 : i32
        %select_n3A_841 = arith.select %eq3A_839, %jit3A_840, %jit3A_837 : i32
        %rem3A_842 = arith.remsi %add3A_812, %select_n3A_841 : i32
        %ne3A_843 = arith.constant 0 : i32
        %ne3A_844 = arith.cmpi ne, %rem3A_842, %ne3A_843 : i32
        %lt3A_845 = arith.constant 0 : i32
        %lt3A_846 = arith.cmpi slt, %rem3A_842, %lt3A_845 : i32
        %lt3A_847 = arith.constant 0 : i32
        %lt3A_848 = arith.cmpi slt, %select_n3A_841, %lt3A_847 : i32
        %ne3A_849 = arith.xori %lt3A_846, %lt3A_848 : i1
        %and3A_850 = arith.andi %ne3A_849, %ne3A_844 : i1
        %add3A_851 = arith.addi %rem3A_842, %select_n3A_841 : i32
        %select_n3A_852 = arith.select %and3A_850, %add3A_851, %rem3A_842 : i32
        %dma_wait3A_853 = arith.constant 0 : i32
        %dma_wait3A_854 = arith.constant 0 : i32
        %dma_wait3A_855 = arith.constant 0 : i32
        %dma_wait3A_856 = tpu.memref_slice %arg13[%dma_wait3A_853, %dma_wait3A_854, %dma_wait3A_855] : memref<8x8x129xf32, #tpu.memory_space<vmem>> -> memref<8x8x128xf32, #tpu.memory_space<vmem>>
        %dma_wait3A_857 = arith.constant 0 : i32
        %dma_wait3A_858 = arith.constant 0 : i32
        %dma_wait3A_859 = arith.constant 0 : i32
        %dma_wait3A_860 = tpu.memref_slice %arg4[%select_n3A_836, %dma_wait3A_857, %select_n3A_852, %dma_wait3A_858, %dma_wait3A_859] : memref<200x8x32x8x128xf32, #tpu.memory_space<hbm>> -> memref<1x8x1x8x128xf32, #tpu.memory_space<hbm>>
        %dma_wait3A_861 = tpu.memref_squeeze %dma_wait3A_860 : memref<1x8x1x8x128xf32, #tpu.memory_space<hbm>> -> memref<8x8x128xf32, #tpu.memory_space<hbm>>
        %dma_wait3A_862 = arith.constant 0 : i32
        %dma_wait3A_863 = arith.constant 0 : i32
        %dma_wait3A_864 = arith.constant 0 : i32
        %dma_wait3A_865 = tpu.memref_slice %arg4[%select_n3A_836, %dma_wait3A_862, %select_n3A_852, %dma_wait3A_863, %dma_wait3A_864] : memref<200x8x32x8x128xf32, #tpu.memory_space<hbm>> -> memref<1x8x1x8x128xf32, #tpu.memory_space<hbm>>
        %dma_wait3A_866 = tpu.memref_squeeze %dma_wait3A_865 : memref<1x8x1x8x128xf32, #tpu.memory_space<hbm>> -> memref<8x8x128xf32, #tpu.memory_space<hbm>>
        %dma_wait3A_867 = arith.constant 0 : i32
        %dma_wait3A_868 = arith.constant 0 : i32
        %dma_wait3A_869 = arith.constant 0 : i32
        %dma_wait3A_870 = tpu.memref_slice %arg13[%dma_wait3A_867, %dma_wait3A_868, %dma_wait3A_869] : memref<8x8x129xf32, #tpu.memory_space<vmem>> -> memref<8x8x128xf32, #tpu.memory_space<vmem>>
        tpu.wait_dma2 semaphore(%arg21 : memref<!tpu.dma_semaphore, #tpu.memory_space<semaphore_mem>>) src(%dma_wait3A_870 : memref<8x8x128xf32, #tpu.memory_space<vmem>>) dst(%dma_wait3A_866 : memref<8x8x128xf32, #tpu.memory_space<hbm>>)
      } else {
      }
      %parallel_loop3A_742 = arith.constant 0 : i32
      %parallel_loop3A_743 = arith.constant 128 : i32
      %parallel_loop3A_744 = arith.constant 1 : i32
      scf.for %parallel_loop3A_811 = %parallel_loop3A_742 to %parallel_loop3A_743 step %parallel_loop3A_744  : i32 {
        %parallel_loop3A_812 = vector.broadcast %parallel_loop3A_811 : i32 to vector<16xi32>
        %parallel_loop3A_813 = arith.index_cast %parallel_loop3A_811 : i32 to index
        %parallel_loop3A_814 = arith.constant 0 : index
        %parallel_loop3A_815 = tpu.vector_load %arg9[%parallel_loop3A_813, %parallel_loop3A_814] {strides = array<i32>} : memref<128x64xf32, #tpu.memory_space<vmem>>, vector<16xf32>,
        tpu.vector_store_idx %arg13[%select_n3A, %select_n3A_48, %parallel_loop3A_812], %parallel_loop3A_815 : memref<8x8x129xf32, #tpu.memory_space<vmem>>[vector<16xi32>, vector<16xi32>, vector<16xi32>], vector<16xf32>,
        %parallel_loop3A_816 = arith.index_cast %parallel_loop3A_811 : i32 to index
        %parallel_loop3A_817 = arith.constant 16 : index
        %parallel_loop3A_818 = tpu.vector_load %arg9[%parallel_loop3A_816, %parallel_loop3A_817] {strides = array<i32>} : memref<128x64xf32, #tpu.memory_space<vmem>>, vector<16xf32>,
        tpu.vector_store_idx %arg13[%select_n3A_82, %select_n3A_104, %parallel_loop3A_812], %parallel_loop3A_818 : memref<8x8x129xf32, #tpu.memory_space<vmem>>[vector<16xi32>, vector<16xi32>, vector<16xi32>], vector<16xf32>,
        %parallel_loop3A_819 = arith.index_cast %parallel_loop3A_811 : i32 to index
        %parallel_loop3A_820 = arith.constant 32 : index
        %parallel_loop3A_821 = tpu.vector_load %arg9[%parallel_loop3A_819, %parallel_loop3A_820] {strides = array<i32>} : memref<128x64xf32, #tpu.memory_space<vmem>>, vector<16xf32>,
        tpu.vector_store_idx %arg13[%select_n3A_138, %select_n3A_160, %parallel_loop3A_812], %parallel_loop3A_821 : memref<8x8x129xf32, #tpu.memory_space<vmem>>[vector<16xi32>, vector<16xi32>, vector<16xi32>], vector<16xf32>,
        %parallel_loop3A_822 = arith.index_cast %parallel_loop3A_811 : i32 to index
        %parallel_loop3A_823 = arith.constant 48 : index
        %parallel_loop3A_824 = tpu.vector_load %arg9[%parallel_loop3A_822, %parallel_loop3A_823] {strides = array<i32>} : memref<128x64xf32, #tpu.memory_space<vmem>>, vector<16xf32>,
        tpu.vector_store_idx %arg13[%select_n3A_194, %select_n3A_216, %parallel_loop3A_812], %parallel_loop3A_824 : memref<8x8x129xf32, #tpu.memory_space<vmem>>[vector<16xi32>, vector<16xi32>, vector<16xi32>], vector<16xf32>,
      } {sc.loop_unroll_factor = 4 : i64, sc.parallel_access}
      %lt3A_745 = arith.constant 49 : i32
      %lt3A_746 = arith.cmpi slt, %scan3A_488, %lt3A_745 : i32
      %convert_element_type3A_747 = arith.extui %lt3A_746 : i1 to i32
      %cond3A_748 = arith.constant 0 : i32
      %cond3A_749 = arith.cmpi ne, %convert_element_type3A_747, %cond3A_748 : i32
      scf.if %cond3A_749 {
        %add3A_811 = arith.constant 3 : i32
        %add3A_812 = arith.addi %mul3A_490, %add3A_811 : i32
        %add3A_813 = arith.constant 4 : i32
        %add3A_814 = arith.addi %add3A_812, %add3A_813 : i32
        %dma_start3A_815 = arith.constant 0 : i32
        %dma_start3A_816 = tpu.memref_slice %arg5[%add3A_814, %dma_start3A_815] : memref<200x128xi32, #tpu.memory_space<vmem>> -> memref<1x128xi32, #tpu.memory_space<vmem>>
        %dma_start3A_817 = tpu.memref_squeeze %dma_start3A_816 : memref<1x128xi32, #tpu.memory_space<vmem>> -> memref<128xi32, #tpu.memory_space<vmem>>
        %dma_start3A_818 = arith.constant 0 : i32
        %dma_start3A_819 = arith.constant 0 : i32
        %dma_start3A_820 = tpu.memref_slice %arg3[%dma_start3A_818, %dma_start3A_819] : memref<200000x64xf32, #tpu.memory_space<hbm>> -> memref<200000x64xf32, #tpu.memory_space<hbm>>
        tpu.enqueue_indirect_dma source(%dma_start3A_820 : memref<200000x64xf32, #tpu.memory_space<hbm>>) target(%arg9 : memref<128x64xf32, #tpu.memory_space<vmem>>) offsets(%dma_start3A_817 : memref<128xi32, #tpu.memory_space<vmem>>) semaphore(%arg17 : memref<!tpu.dma_semaphore, #tpu.memory_space<semaphore_mem>>)
      } else {
      }
      %add3A_750 = arith.constant 3 : i32
      %add3A_751 = arith.addi %mul3A_490, %add3A_750 : i32
      %add3A_752 = arith.addi %mul3A_2, %add3A_751 : i32
      %jit3A_753 = arith.constant 32 : i32
      %div3A_754 = arith.divsi %add3A_752, %jit3A_753 : i32
      %sign3A_755 = arith.constant 0 : i32
      %sign3A_756 = arith.cmpi sgt, %add3A_752, %sign3A_755 : i32
      %sign3A_757 = arith.extui %sign3A_756 : i1 to i32
      %sign3A_758 = arith.constant 0 : i32
      %sign3A_759 = arith.cmpi slt, %add3A_752, %sign3A_758 : i32
      %sign3A_760 = arith.extui %sign3A_759 : i1 to i32
      %sign3A_761 = arith.subi %sign3A_757, %sign3A_760 : i32
      %sign3A_762 = arith.constant 0 : i32
      %sign3A_763 = arith.cmpi sgt, %jit3A_753, %sign3A_762 : i32
      %sign3A_764 = arith.extui %sign3A_763 : i1 to i32
      %sign3A_765 = arith.constant 0 : i32
      %sign3A_766 = arith.cmpi slt, %jit3A_753, %sign3A_765 : i32
      %sign3A_767 = arith.extui %sign3A_766 : i1 to i32
      %sign3A_768 = arith.subi %sign3A_764, %sign3A_767 : i32
      %ne3A_769 = arith.cmpi ne, %sign3A_761, %sign3A_768 : i32
      %rem3A_770 = arith.remsi %add3A_752, %jit3A_753 : i32
      %ne3A_771 = arith.constant 0 : i32
      %ne3A_772 = arith.cmpi ne, %rem3A_770, %ne3A_771 : i32
      %and3A_773 = arith.andi %ne3A_769, %ne3A_772 : i1
      %sub3A_774 = arith.constant 1 : i32
      %sub3A_775 = arith.subi %div3A_754, %sub3A_774 : i32
      %select_n3A_776 = arith.select %and3A_773, %sub3A_775, %div3A_754 : i32
      %jit3A_777 = arith.constant 32 : i32
      %eq3A_778 = arith.constant 0 : i32
      %eq3A_779 = arith.cmpi eq, %jit3A_777, %eq3A_778 : i32
      %jit3A_780 = arith.constant 1 : i32
      %select_n3A_781 = arith.select %eq3A_779, %jit3A_780, %jit3A_777 : i32
      %rem3A_782 = arith.remsi %add3A_752, %select_n3A_781 : i32
      %ne3A_783 = arith.constant 0 : i32
      %ne3A_784 = arith.cmpi ne, %rem3A_782, %ne3A_783 : i32
      %lt3A_785 = arith.constant 0 : i32
      %lt3A_786 = arith.cmpi slt, %rem3A_782, %lt3A_785 : i32
      %lt3A_787 = arith.constant 0 : i32
      %lt3A_788 = arith.cmpi slt, %select_n3A_781, %lt3A_787 : i32
      %ne3A_789 = arith.xori %lt3A_786, %lt3A_788 : i1
      %and3A_790 = arith.andi %ne3A_789, %ne3A_784 : i1
      %add3A_791 = arith.addi %rem3A_782, %select_n3A_781 : i32
      %select_n3A_792 = arith.select %and3A_790, %add3A_791, %rem3A_782 : i32
      %dma_start3A_793 = arith.constant 0 : i32
      %dma_start3A_794 = arith.constant 0 : i32
      %dma_start3A_795 = arith.constant 0 : i32
      %dma_start3A_796 = tpu.memref_slice %arg13[%dma_start3A_793, %dma_start3A_794, %dma_start3A_795] : memref<8x8x129xf32, #tpu.memory_space<vmem>> -> memref<8x8x128xf32, #tpu.memory_space<vmem>>
      %dma_start3A_797 = arith.constant 0 : i32
      %dma_start3A_798 = arith.constant 0 : i32
      %dma_start3A_799 = arith.constant 0 : i32
      %dma_start3A_800 = tpu.memref_slice %arg4[%select_n3A_776, %dma_start3A_797, %select_n3A_792, %dma_start3A_798, %dma_start3A_799] : memref<200x8x32x8x128xf32, #tpu.memory_space<hbm>> -> memref<1x8x1x8x128xf32, #tpu.memory_space<hbm>>
      %dma_start3A_801 = tpu.memref_squeeze %dma_start3A_800 : memref<1x8x1x8x128xf32, #tpu.memory_space<hbm>> -> memref<8x8x128xf32, #tpu.memory_space<hbm>>
      %dma_start3A_802 = arith.constant 0 : i32
      %dma_start3A_803 = arith.constant 0 : i32
      %dma_start3A_804 = arith.constant 0 : i32
      %dma_start3A_805 = tpu.memref_slice %arg4[%select_n3A_776, %dma_start3A_802, %select_n3A_792, %dma_start3A_803, %dma_start3A_804] : memref<200x8x32x8x128xf32, #tpu.memory_space<hbm>> -> memref<1x8x1x8x128xf32, #tpu.memory_space<hbm>>
      %dma_start3A_806 = tpu.memref_squeeze %dma_start3A_805 : memref<1x8x1x8x128xf32, #tpu.memory_space<hbm>> -> memref<8x8x128xf32, #tpu.memory_space<hbm>>
      %dma_start3A_807 = arith.constant 0 : i32
      %dma_start3A_808 = arith.constant 0 : i32
      %dma_start3A_809 = arith.constant 0 : i32
      %dma_start3A_810 = tpu.memref_slice %arg13[%dma_start3A_807, %dma_start3A_808, %dma_start3A_809] : memref<8x8x129xf32, #tpu.memory_space<vmem>> -> memref<8x8x128xf32, #tpu.memory_space<vmem>>
      tpu.enqueue_dma source(%dma_start3A_810 : memref<8x8x128xf32, #tpu.memory_space<vmem>>) target(%dma_start3A_806 : memref<8x8x128xf32, #tpu.memory_space<hbm>>) target_semaphore(%arg21 : memref<!tpu.dma_semaphore, #tpu.memory_space<semaphore_mem>>)
    }
    %scan3A_248 = arith.constant 50 : i32
    %add3A_249 = arith.constant 0 : i32
    %add3A_250 = arith.addi %mul3A_2, %add3A_249 : i32
    %jit3A_251 = arith.constant 32 : i32
    %div3A_252 = arith.divsi %add3A_250, %jit3A_251 : i32
    %sign3A_253 = arith.constant 0 : i32
    %sign3A_254 = arith.cmpi sgt, %add3A_250, %sign3A_253 : i32
    %sign3A_255 = arith.extui %sign3A_254 : i1 to i32
    %sign3A_256 = arith.constant 0 : i32
    %sign3A_257 = arith.cmpi slt, %add3A_250, %sign3A_256 : i32
    %sign3A_258 = arith.extui %sign3A_257 : i1 to i32
    %sign3A_259 = arith.subi %sign3A_255, %sign3A_258 : i32
    %sign3A_260 = arith.constant 0 : i32
    %sign3A_261 = arith.cmpi sgt, %jit3A_251, %sign3A_260 : i32
    %sign3A_262 = arith.extui %sign3A_261 : i1 to i32
    %sign3A_263 = arith.constant 0 : i32
    %sign3A_264 = arith.cmpi slt, %jit3A_251, %sign3A_263 : i32
    %sign3A_265 = arith.extui %sign3A_264 : i1 to i32
    %sign3A_266 = arith.subi %sign3A_262, %sign3A_265 : i32
    %ne3A_267 = arith.cmpi ne, %sign3A_259, %sign3A_266 : i32
    %rem3A_268 = arith.remsi %add3A_250, %jit3A_251 : i32
    %ne3A_269 = arith.constant 0 : i32
    %ne3A_270 = arith.cmpi ne, %rem3A_268, %ne3A_269 : i32
    %and3A_271 = arith.andi %ne3A_267, %ne3A_270 : i1
    %sub3A_272 = arith.constant 1 : i32
    %sub3A_273 = arith.subi %div3A_252, %sub3A_272 : i32
    %select_n3A_274 = arith.select %and3A_271, %sub3A_273, %div3A_252 : i32
    %jit3A_275 = arith.constant 32 : i32
    %eq3A_276 = arith.constant 0 : i32
    %eq3A_277 = arith.cmpi eq, %jit3A_275, %eq3A_276 : i32
    %jit3A_278 = arith.constant 1 : i32
    %select_n3A_279 = arith.select %eq3A_277, %jit3A_278, %jit3A_275 : i32
    %rem3A_280 = arith.remsi %add3A_250, %select_n3A_279 : i32
    %ne3A_281 = arith.constant 0 : i32
    %ne3A_282 = arith.cmpi ne, %rem3A_280, %ne3A_281 : i32
    %lt3A_283 = arith.constant 0 : i32
    %lt3A_284 = arith.cmpi slt, %rem3A_280, %lt3A_283 : i32
    %lt3A_285 = arith.constant 0 : i32
    %lt3A_286 = arith.cmpi slt, %select_n3A_279, %lt3A_285 : i32
    %ne3A_287 = arith.xori %lt3A_284, %lt3A_286 : i1
    %and3A_288 = arith.andi %ne3A_287, %ne3A_282 : i1
    %add3A_289 = arith.addi %rem3A_280, %select_n3A_279 : i32
    %select_n3A_290 = arith.select %and3A_288, %add3A_289, %rem3A_280 : i32
    %dma_wait3A = arith.constant 0 : i32
    %dma_wait3A_291 = arith.constant 0 : i32
    %dma_wait3A_292 = arith.constant 0 : i32
    %dma_wait3A_293 = tpu.memref_slice %arg10[%dma_wait3A, %dma_wait3A_291, %dma_wait3A_292] : memref<8x8x129xf32, #tpu.memory_space<vmem>> -> memref<8x8x128xf32, #tpu.memory_space<vmem>>
    %dma_wait3A_294 = arith.constant 0 : i32
    %dma_wait3A_295 = arith.constant 0 : i32
    %dma_wait3A_296 = arith.constant 0 : i32
    %dma_wait3A_297 = tpu.memref_slice %arg4[%select_n3A_274, %dma_wait3A_294, %select_n3A_290, %dma_wait3A_295, %dma_wait3A_296] : memref<200x8x32x8x128xf32, #tpu.memory_space<hbm>> -> memref<1x8x1x8x128xf32, #tpu.memory_space<hbm>>
    %dma_wait3A_298 = tpu.memref_squeeze %dma_wait3A_297 : memref<1x8x1x8x128xf32, #tpu.memory_space<hbm>> -> memref<8x8x128xf32, #tpu.memory_space<hbm>>
    %dma_wait3A_299 = arith.constant 0 : i32
    %dma_wait3A_300 = arith.constant 0 : i32
    %dma_wait3A_301 = arith.constant 0 : i32
    %dma_wait3A_302 = tpu.memref_slice %arg4[%select_n3A_274, %dma_wait3A_299, %select_n3A_290, %dma_wait3A_300, %dma_wait3A_301] : memref<200x8x32x8x128xf32, #tpu.memory_space<hbm>> -> memref<1x8x1x8x128xf32, #tpu.memory_space<hbm>>
    %dma_wait3A_303 = tpu.memref_squeeze %dma_wait3A_302 : memref<1x8x1x8x128xf32, #tpu.memory_space<hbm>> -> memref<8x8x128xf32, #tpu.memory_space<hbm>>
    %dma_wait3A_304 = arith.constant 0 : i32
    %dma_wait3A_305 = arith.constant 0 : i32
    %dma_wait3A_306 = arith.constant 0 : i32
    %dma_wait3A_307 = tpu.memref_slice %arg10[%dma_wait3A_304, %dma_wait3A_305, %dma_wait3A_306] : memref<8x8x129xf32, #tpu.memory_space<vmem>> -> memref<8x8x128xf32, #tpu.memory_space<vmem>>
    tpu.wait_dma2 semaphore(%arg18 : memref<!tpu.dma_semaphore, #tpu.memory_space<semaphore_mem>>) src(%dma_wait3A_307 : memref<8x8x128xf32, #tpu.memory_space<vmem>>) dst(%dma_wait3A_303 : memref<8x8x128xf32, #tpu.memory_space<hbm>>)
    %add3A_308 = arith.constant 0 : i32
    %add3A_309 = arith.addi %mul3A_2, %add3A_308 : i32
    %jit3A_310 = arith.constant 32 : i32
    %div3A_311 = arith.divsi %add3A_309, %jit3A_310 : i32
    %sign3A_312 = arith.constant 0 : i32
    %sign3A_313 = arith.cmpi sgt, %add3A_309, %sign3A_312 : i32
    %sign3A_314 = arith.extui %sign3A_313 : i1 to i32
    %sign3A_315 = arith.constant 0 : i32
    %sign3A_316 = arith.cmpi slt, %add3A_309, %sign3A_315 : i32
    %sign3A_317 = arith.extui %sign3A_316 : i1 to i32
    %sign3A_318 = arith.subi %sign3A_314, %sign3A_317 : i32
    %sign3A_319 = arith.constant 0 : i32
    %sign3A_320 = arith.cmpi sgt, %jit3A_310, %sign3A_319 : i32
    %sign3A_321 = arith.extui %sign3A_320 : i1 to i32
    %sign3A_322 = arith.constant 0 : i32
    %sign3A_323 = arith.cmpi slt, %jit3A_310, %sign3A_322 : i32
    %sign3A_324 = arith.extui %sign3A_323 : i1 to i32
    %sign3A_325 = arith.subi %sign3A_321, %sign3A_324 : i32
    %ne3A_326 = arith.cmpi ne, %sign3A_318, %sign3A_325 : i32
    %rem3A_327 = arith.remsi %add3A_309, %jit3A_310 : i32
    %ne3A_328 = arith.constant 0 : i32
    %ne3A_329 = arith.cmpi ne, %rem3A_327, %ne3A_328 : i32
    %and3A_330 = arith.andi %ne3A_326, %ne3A_329 : i1
    %sub3A_331 = arith.constant 1 : i32
    %sub3A_332 = arith.subi %div3A_311, %sub3A_331 : i32
    %select_n3A_333 = arith.select %and3A_330, %sub3A_332, %div3A_311 : i32
    %jit3A_334 = arith.constant 32 : i32
    %eq3A_335 = arith.constant 0 : i32
    %eq3A_336 = arith.cmpi eq, %jit3A_334, %eq3A_335 : i32
    %jit3A_337 = arith.constant 1 : i32
    %select_n3A_338 = arith.select %eq3A_336, %jit3A_337, %jit3A_334 : i32
    %rem3A_339 = arith.remsi %add3A_309, %select_n3A_338 : i32
    %ne3A_340 = arith.constant 0 : i32
    %ne3A_341 = arith.cmpi ne, %rem3A_339, %ne3A_340 : i32
    %lt3A_342 = arith.constant 0 : i32
    %lt3A_343 = arith.cmpi slt, %rem3A_339, %lt3A_342 : i32
    %lt3A_344 = arith.constant 0 : i32
    %lt3A_345 = arith.cmpi slt, %select_n3A_338, %lt3A_344 : i32
    %ne3A_346 = arith.xori %lt3A_343, %lt3A_345 : i1
    %and3A_347 = arith.andi %ne3A_346, %ne3A_341 : i1
    %add3A_348 = arith.addi %rem3A_339, %select_n3A_338 : i32
    %select_n3A_349 = arith.select %and3A_347, %add3A_348, %rem3A_339 : i32
    %dma_wait3A_350 = arith.constant 0 : i32
    %dma_wait3A_351 = arith.constant 0 : i32
    %dma_wait3A_352 = arith.constant 0 : i32
    %dma_wait3A_353 = tpu.memref_slice %arg11[%dma_wait3A_350, %dma_wait3A_351, %dma_wait3A_352] : memref<8x8x129xf32, #tpu.memory_space<vmem>> -> memref<8x8x128xf32, #tpu.memory_space<vmem>>
    %dma_wait3A_354 = arith.constant 0 : i32
    %dma_wait3A_355 = arith.constant 0 : i32
    %dma_wait3A_356 = arith.constant 0 : i32
    %dma_wait3A_357 = tpu.memref_slice %arg4[%select_n3A_333, %dma_wait3A_354, %select_n3A_349, %dma_wait3A_355, %dma_wait3A_356] : memref<200x8x32x8x128xf32, #tpu.memory_space<hbm>> -> memref<1x8x1x8x128xf32, #tpu.memory_space<hbm>>
    %dma_wait3A_358 = tpu.memref_squeeze %dma_wait3A_357 : memref<1x8x1x8x128xf32, #tpu.memory_space<hbm>> -> memref<8x8x128xf32, #tpu.memory_space<hbm>>
    %dma_wait3A_359 = arith.constant 0 : i32
    %dma_wait3A_360 = arith.constant 0 : i32
    %dma_wait3A_361 = arith.constant 0 : i32
    %dma_wait3A_362 = tpu.memref_slice %arg4[%select_n3A_333, %dma_wait3A_359, %select_n3A_349, %dma_wait3A_360, %dma_wait3A_361] : memref<200x8x32x8x128xf32, #tpu.memory_space<hbm>> -> memref<1x8x1x8x128xf32, #tpu.memory_space<hbm>>
    %dma_wait3A_363 = tpu.memref_squeeze %dma_wait3A_362 : memref<1x8x1x8x128xf32, #tpu.memory_space<hbm>> -> memref<8x8x128xf32, #tpu.memory_space<hbm>>
    %dma_wait3A_364 = arith.constant 0 : i32
    %dma_wait3A_365 = arith.constant 0 : i32
    %dma_wait3A_366 = arith.constant 0 : i32
    %dma_wait3A_367 = tpu.memref_slice %arg11[%dma_wait3A_364, %dma_wait3A_365, %dma_wait3A_366] : memref<8x8x129xf32, #tpu.memory_space<vmem>> -> memref<8x8x128xf32, #tpu.memory_space<vmem>>
    tpu.wait_dma2 semaphore(%arg19 : memref<!tpu.dma_semaphore, #tpu.memory_space<semaphore_mem>>) src(%dma_wait3A_367 : memref<8x8x128xf32, #tpu.memory_space<vmem>>) dst(%dma_wait3A_363 : memref<8x8x128xf32, #tpu.memory_space<hbm>>)
    %add3A_368 = arith.constant 0 : i32
    %add3A_369 = arith.addi %mul3A_2, %add3A_368 : i32
    %jit3A_370 = arith.constant 32 : i32
    %div3A_371 = arith.divsi %add3A_369, %jit3A_370 : i32
    %sign3A_372 = arith.constant 0 : i32
    %sign3A_373 = arith.cmpi sgt, %add3A_369, %sign3A_372 : i32
    %sign3A_374 = arith.extui %sign3A_373 : i1 to i32
    %sign3A_375 = arith.constant 0 : i32
    %sign3A_376 = arith.cmpi slt, %add3A_369, %sign3A_375 : i32
    %sign3A_377 = arith.extui %sign3A_376 : i1 to i32
    %sign3A_378 = arith.subi %sign3A_374, %sign3A_377 : i32
    %sign3A_379 = arith.constant 0 : i32
    %sign3A_380 = arith.cmpi sgt, %jit3A_370, %sign3A_379 : i32
    %sign3A_381 = arith.extui %sign3A_380 : i1 to i32
    %sign3A_382 = arith.constant 0 : i32
    %sign3A_383 = arith.cmpi slt, %jit3A_370, %sign3A_382 : i32
    %sign3A_384 = arith.extui %sign3A_383 : i1 to i32
    %sign3A_385 = arith.subi %sign3A_381, %sign3A_384 : i32
    %ne3A_386 = arith.cmpi ne, %sign3A_378, %sign3A_385 : i32
    %rem3A_387 = arith.remsi %add3A_369, %jit3A_370 : i32
    %ne3A_388 = arith.constant 0 : i32
    %ne3A_389 = arith.cmpi ne, %rem3A_387, %ne3A_388 : i32
    %and3A_390 = arith.andi %ne3A_386, %ne3A_389 : i1
    %sub3A_391 = arith.constant 1 : i32
    %sub3A_392 = arith.subi %div3A_371, %sub3A_391 : i32
    %select_n3A_393 = arith.select %and3A_390, %sub3A_392, %div3A_371 : i32
    %jit3A_394 = arith.constant 32 : i32
    %eq3A_395 = arith.constant 0 : i32
    %eq3A_396 = arith.cmpi eq, %jit3A_394, %eq3A_395 : i32
    %jit3A_397 = arith.constant 1 : i32
    %select_n3A_398 = arith.select %eq3A_396, %jit3A_397, %jit3A_394 : i32
    %rem3A_399 = arith.remsi %add3A_369, %select_n3A_398 : i32
    %ne3A_400 = arith.constant 0 : i32
    %ne3A_401 = arith.cmpi ne, %rem3A_399, %ne3A_400 : i32
    %lt3A_402 = arith.constant 0 : i32
    %lt3A_403 = arith.cmpi slt, %rem3A_399, %lt3A_402 : i32
    %lt3A_404 = arith.constant 0 : i32
    %lt3A_405 = arith.cmpi slt, %select_n3A_398, %lt3A_404 : i32
    %ne3A_406 = arith.xori %lt3A_403, %lt3A_405 : i1
    %and3A_407 = arith.andi %ne3A_406, %ne3A_401 : i1
    %add3A_408 = arith.addi %rem3A_399, %select_n3A_398 : i32
    %select_n3A_409 = arith.select %and3A_407, %add3A_408, %rem3A_399 : i32
    %dma_wait3A_410 = arith.constant 0 : i32
    %dma_wait3A_411 = arith.constant 0 : i32
    %dma_wait3A_412 = arith.constant 0 : i32
    %dma_wait3A_413 = tpu.memref_slice %arg12[%dma_wait3A_410, %dma_wait3A_411, %dma_wait3A_412] : memref<8x8x129xf32, #tpu.memory_space<vmem>> -> memref<8x8x128xf32, #tpu.memory_space<vmem>>
    %dma_wait3A_414 = arith.constant 0 : i32
    %dma_wait3A_415 = arith.constant 0 : i32
    %dma_wait3A_416 = arith.constant 0 : i32
    %dma_wait3A_417 = tpu.memref_slice %arg4[%select_n3A_393, %dma_wait3A_414, %select_n3A_409, %dma_wait3A_415, %dma_wait3A_416] : memref<200x8x32x8x128xf32, #tpu.memory_space<hbm>> -> memref<1x8x1x8x128xf32, #tpu.memory_space<hbm>>
    %dma_wait3A_418 = tpu.memref_squeeze %dma_wait3A_417 : memref<1x8x1x8x128xf32, #tpu.memory_space<hbm>> -> memref<8x8x128xf32, #tpu.memory_space<hbm>>
    %dma_wait3A_419 = arith.constant 0 : i32
    %dma_wait3A_420 = arith.constant 0 : i32
    %dma_wait3A_421 = arith.constant 0 : i32
    %dma_wait3A_422 = tpu.memref_slice %arg4[%select_n3A_393, %dma_wait3A_419, %select_n3A_409, %dma_wait3A_420, %dma_wait3A_421] : memref<200x8x32x8x128xf32, #tpu.memory_space<hbm>> -> memref<1x8x1x8x128xf32, #tpu.memory_space<hbm>>
    %dma_wait3A_423 = tpu.memref_squeeze %dma_wait3A_422 : memref<1x8x1x8x128xf32, #tpu.memory_space<hbm>> -> memref<8x8x128xf32, #tpu.memory_space<hbm>>
    %dma_wait3A_424 = arith.constant 0 : i32
    %dma_wait3A_425 = arith.constant 0 : i32
    %dma_wait3A_426 = arith.constant 0 : i32
    %dma_wait3A_427 = tpu.memref_slice %arg12[%dma_wait3A_424, %dma_wait3A_425, %dma_wait3A_426] : memref<8x8x129xf32, #tpu.memory_space<vmem>> -> memref<8x8x128xf32, #tpu.memory_space<vmem>>
    tpu.wait_dma2 semaphore(%arg20 : memref<!tpu.dma_semaphore, #tpu.memory_space<semaphore_mem>>) src(%dma_wait3A_427 : memref<8x8x128xf32, #tpu.memory_space<vmem>>) dst(%dma_wait3A_423 : memref<8x8x128xf32, #tpu.memory_space<hbm>>)
    %add3A_428 = arith.constant 0 : i32
    %add3A_429 = arith.addi %mul3A_2, %add3A_428 : i32
    %jit3A_430 = arith.constant 32 : i32
    %div3A_431 = arith.divsi %add3A_429, %jit3A_430 : i32
    %sign3A_432 = arith.constant 0 : i32
    %sign3A_433 = arith.cmpi sgt, %add3A_429, %sign3A_432 : i32
    %sign3A_434 = arith.extui %sign3A_433 : i1 to i32
    %sign3A_435 = arith.constant 0 : i32
    %sign3A_436 = arith.cmpi slt, %add3A_429, %sign3A_435 : i32
    %sign3A_437 = arith.extui %sign3A_436 : i1 to i32
    %sign3A_438 = arith.subi %sign3A_434, %sign3A_437 : i32
    %sign3A_439 = arith.constant 0 : i32
    %sign3A_440 = arith.cmpi sgt, %jit3A_430, %sign3A_439 : i32
    %sign3A_441 = arith.extui %sign3A_440 : i1 to i32
    %sign3A_442 = arith.constant 0 : i32
    %sign3A_443 = arith.cmpi slt, %jit3A_430, %sign3A_442 : i32
    %sign3A_444 = arith.extui %sign3A_443 : i1 to i32
    %sign3A_445 = arith.subi %sign3A_441, %sign3A_444 : i32
    %ne3A_446 = arith.cmpi ne, %sign3A_438, %sign3A_445 : i32
    %rem3A_447 = arith.remsi %add3A_429, %jit3A_430 : i32
    %ne3A_448 = arith.constant 0 : i32
    %ne3A_449 = arith.cmpi ne, %rem3A_447, %ne3A_448 : i32
    %and3A_450 = arith.andi %ne3A_446, %ne3A_449 : i1
    %sub3A_451 = arith.constant 1 : i32
    %sub3A_452 = arith.subi %div3A_431, %sub3A_451 : i32
    %select_n3A_453 = arith.select %and3A_450, %sub3A_452, %div3A_431 : i32
    %jit3A_454 = arith.constant 32 : i32
    %eq3A_455 = arith.constant 0 : i32
    %eq3A_456 = arith.cmpi eq, %jit3A_454, %eq3A_455 : i32
    %jit3A_457 = arith.constant 1 : i32
    %select_n3A_458 = arith.select %eq3A_456, %jit3A_457, %jit3A_454 : i32
    %rem3A_459 = arith.remsi %add3A_429, %select_n3A_458 : i32
    %ne3A_460 = arith.constant 0 : i32
    %ne3A_461 = arith.cmpi ne, %rem3A_459, %ne3A_460 : i32
    %lt3A_462 = arith.constant 0 : i32
    %lt3A_463 = arith.cmpi slt, %rem3A_459, %lt3A_462 : i32
    %lt3A_464 = arith.constant 0 : i32
    %lt3A_465 = arith.cmpi slt, %select_n3A_458, %lt3A_464 : i32
    %ne3A_466 = arith.xori %lt3A_463, %lt3A_465 : i1
    %and3A_467 = arith.andi %ne3A_466, %ne3A_461 : i1
    %add3A_468 = arith.addi %rem3A_459, %select_n3A_458 : i32
    %select_n3A_469 = arith.select %and3A_467, %add3A_468, %rem3A_459 : i32
    %dma_wait3A_470 = arith.constant 0 : i32
    %dma_wait3A_471 = arith.constant 0 : i32
    %dma_wait3A_472 = arith.constant 0 : i32
    %dma_wait3A_473 = tpu.memref_slice %arg13[%dma_wait3A_470, %dma_wait3A_471, %dma_wait3A_472] : memref<8x8x129xf32, #tpu.memory_space<vmem>> -> memref<8x8x128xf32, #tpu.memory_space<vmem>>
    %dma_wait3A_474 = arith.constant 0 : i32
    %dma_wait3A_475 = arith.constant 0 : i32
    %dma_wait3A_476 = arith.constant 0 : i32
    %dma_wait3A_477 = tpu.memref_slice %arg4[%select_n3A_453, %dma_wait3A_474, %select_n3A_469, %dma_wait3A_475, %dma_wait3A_476] : memref<200x8x32x8x128xf32, #tpu.memory_space<hbm>> -> memref<1x8x1x8x128xf32, #tpu.memory_space<hbm>>
    %dma_wait3A_478 = tpu.memref_squeeze %dma_wait3A_477 : memref<1x8x1x8x128xf32, #tpu.memory_space<hbm>> -> memref<8x8x128xf32, #tpu.memory_space<hbm>>
    %dma_wait3A_479 = arith.constant 0 : i32
    %dma_wait3A_480 = arith.constant 0 : i32
    %dma_wait3A_481 = arith.constant 0 : i32
    %dma_wait3A_482 = tpu.memref_slice %arg4[%select_n3A_453, %dma_wait3A_479, %select_n3A_469, %dma_wait3A_480, %dma_wait3A_481] : memref<200x8x32x8x128xf32, #tpu.memory_space<hbm>> -> memref<1x8x1x8x128xf32, #tpu.memory_space<hbm>>
    %dma_wait3A_483 = tpu.memref_squeeze %dma_wait3A_482 : memref<1x8x1x8x128xf32, #tpu.memory_space<hbm>> -> memref<8x8x128xf32, #tpu.memory_space<hbm>>
    %dma_wait3A_484 = arith.constant 0 : i32
    %dma_wait3A_485 = arith.constant 0 : i32
    %dma_wait3A_486 = arith.constant 0 : i32
    %dma_wait3A_487 = tpu.memref_slice %arg13[%dma_wait3A_484, %dma_wait3A_485, %dma_wait3A_486] : memref<8x8x129xf32, #tpu.memory_space<vmem>> -> memref<8x8x128xf32, #tpu.memory_space<vmem>>
    tpu.wait_dma2 semaphore(%arg21 : memref<!tpu.dma_semaphore, #tpu.memory_space<semaphore_mem>>) src(%dma_wait3A_487 : memref<8x8x128xf32, #tpu.memory_space<vmem>>) dst(%dma_wait3A_483 : memref<8x8x128xf32, #tpu.memory_space<hbm>>)
    return
  }
}

module attributes {stable_mosaic.version = 14 : i64} {
  func.func @_scale_body(%arg0: i32, %arg1: memref<64x8192xf32, #tpu.memory_space<vmem>>, %arg2: memref<8192x128xf32, #tpu.memory_space<vmem>>) attributes {dimension_semantics = [#tpu.dimension_semantics<arbitrary>], iteration_bounds = array<i64: 13>, scalar_prefetch = 0 : i64, scratch_operands = 0 : i64, tpu.core_type = #tpu.core_type<tc>, window_params = [{transform_indices = @transform_0, window_bounds = array<i64: 64, 8192>}, {transform_indices = @transform_1, window_bounds = array<i64: 8192, 128>}]} {
    %get3A = arith.constant 0 : index
    %get3A_0 = arith.constant 0 : index
    %get3A_1 = vector.load %arg1[%get3A, %get3A_0] : memref<64x8192xf32, #tpu.memory_space<vmem>>, vector<64x8192xf32>
    %transpose3A = tpu.transpose %get3A_1, [1, 0] : vector<64x8192xf32> -> vector<8192x64xf32>
    %mul3A = arith.constant 8.000000e+00 : f32
    %mul3A_2 = vector.broadcast %mul3A : f32 to vector<8192x64xf32>
    %mul3A_3 = arith.mulf %transpose3A, %mul3A_2 : vector<8192x64xf32>
    %swap3A = arith.constant 0 : index
    %swap3A_4 = arith.constant 0 : index
    %swap3A_5 = vector.load %arg2[%swap3A, %swap3A_4] : memref<8192x128xf32, #tpu.memory_space<vmem>>, vector<8192x64xf32>
    tpu.vector_store %arg2[%swap3A, %swap3A_4], %mul3A_3 {strides = array<i32>} : memref<8192x128xf32, #tpu.memory_space<vmem>>, vector<8192x64xf32>,
    return
  }
  func.func @transform_0(%arg0: i32) -> (i32, i32) {
    %c0_i32 = arith.constant 0 : i32
    %c0_i32_0 = arith.constant 0 : i32
    return %c0_i32, %arg0 : i32, i32
  }
  func.func @transform_1(%arg0: i32) -> (i32, i32) {
    %c0_i32 = arith.constant 0 : i32
    %c0_i32_0 = arith.constant 0 : i32
    return %arg0, %c0_i32 : i32, i32
  }
}

</mosaic_0001>

<sc_bundles>
// kernel: kernel.4.cloned.1.call-start
scs
__scs_entry_jumppad:
0x0: {  	(pc) =	sbr.rel $0x88, $3  }
0x1: {  	(tag) =	ssettag $0x0;
	lr =	simm.s32 $0x1  }
0x2: {  	[smem:$0x3F9F] =	sst lr;
	_ =	strace $0xD0000000  }
0x3: {  	_ = 	snop  }
0x4: {  	_ = 	snop  }
0x5: {  	_ = 	snop  }
0x6: {  	_ = 	snop  }
0x7: {  	_ = 	snop  }
__scs_overlays_trampoline_lowered:
0x8: {  	[smem:$0x3FAE] =	sst s0  }
0x9: {  	[smem:$0x3FAF] =	sst s1  }
0xa: {  	[smem:$0x3FB0] =	sst s2  }
0xb: {  	[smem:$0x3FB1] =	sst s3  }
0xc: {  	[smem:$0x3FB2] =	sst s4  }
0xd: {  	[smem:$0x3FB3] =	sst s5  }
0xe: {  	[smem:$0x3FB4] =	sst s6  }
0xf: {  	[smem:$0x3FB5] =	sst s7  }
0x10: {  	[smem:$0x3FB6] =	sst s8  }
0x11: {  	[smem:$0x3FB7] =	sst s9;
	s0 =	simm.s32 @!p0 $0x0  }
0x12: {  	s1 =	sld [smem:$0x3F9D];
	s0 =	simm.s32 @p0 $0x1  }
0x13: {  	[smem:$0x3FB8] =	sst s0;
	s0 =	simm.s32 @!p1 $0x0  }
0x14: {  	s2 =	sld [smem:$0x3F9C];
	s0 =	simm.s32 @p1 $0x1  }
0x15: {  	[smem:$0x3FB9] =	sst s0;
	s0 =	simm.s32 @!p2 $0x0  }
0x16: {  	s3 =	sld [smem:$0x3FDB];
	s0 =	simm.s32 @p2 $0x1  }
0x17: {  	s4 =	simm.s32 $0x1BF5;
	[smem:$0x3FBB] =	sst s0  }
0x18: {  	s0 =	sld [smem:$0x3F9E];
	_ =	swait.ge [sflag:s4], $0x0  }
0x19: {  	s7 =	sld [smem:$0x3F9F]  }
0x1a: {  	s8 =	sadd.s32 $0xFFFFE003, lr  }
0x1b: {  	s9 =	sadd.s32 $0xFFFFFEF7, lr;
	s5 =	simm.s32 $0xFFFFFFFF;
	p2 =	slt.u32 s8, $0xFFFFF086  }
0x1c: {  	p1 =	slt.u32 s9, $0xF7A;
	s5 =	simm.s32 @!p2 $0x0  }
0x1d: {  	s5 =	simm.s32 @p1 $0x1;
	p0 =	seq.s32 s7, s2  }
0x1e: {  	s7 =	smul.u32 @!p0 $0xF7A, s2;
	p2 =	seq.s32 @!p0 s5, $0x0  }
0x1f: {  	s9 =	smul.u32 $0xF7A, s1;
	s8 =	simm.s32 @!p0 $0x1BF5;
	p2 =	por !p2, p0  }
0x20: {  	[sflag:s8] =	ssyncset.s32 @!p0 $0xFFFFF086;
	s6 =	sadd.s32 @!p0 s3, s7;
	s7 =	simm.s32 @!p0 $0x108  }
0x21: {  	s3 =	sadd.s32 s3, s9;
	s6 =	sadd.s32 @!p0 $0x88, s6;
	s7 =	simm.s32 @p2 $0x1082  }
0x22: {  	[simem:s7], [sflag:s8] =	dma.local @!p0 [hbm:s6], $0xF7A  }
0x23: {  	s9 =	sor.u32 $0xD0000000, s2;
	s6 =	simm.s32 $0x108;
	_ =	swait.ge @!p0 [sflag:s8], $0x0  }
0x24: {  	s3 =	sadd.s32 $0x88, s3;
	s6 =	simm.s32 @!p1 $0x1082;
	[sflag:s4] =	ssyncset.s32 $0xFFFFF086  }
0x25: {  	[simem:s6], [sflag:s4] =	dma.local [hbm:s3], $0xF7A  }
0x26: {  	[smem:$0x3F9F] =	sst s1;
	(tag) =	ssettag s2;
	_ =	strace s9  }
0x27: {  	s1 =	sld [smem:$0x3FAF]  }
0x28: {  	s2 =	sld [smem:$0x3FB0]  }
0x29: {  	s4 =	sld [smem:$0x3FB2]  }
0x2a: {  	p0 =	seq.s32 s5, $0x0;
	s5 =	sld [smem:$0x3FB3]  }
0x2b: {  	s6 =	sld [smem:$0x3FB4]  }
0x2c: {  	s7 =	sld [smem:$0x3FB5]  }
0x2d: {  	s3 =	simm.s32 $0x108;
	s8 =	sld [smem:$0x3FB6]  }
0x2e: {  	s3 =	simm.s32 @!p0 $0x1082;
	s9 =	sld [smem:$0x3FB7]  }
0x2f: {  	lr =	sadd.s32 s0, s3;
	s0 =	sld [smem:$0x3FAE]  }
0x30: {  	s3 =	sld [smem:$0x3FB1]  }
0x31: {  	[smem:$0x3FBA] =	sst s10  }
0x32: {  	s10 =	sld [smem:$0x3FB8];
	_ =	sdelay $0x3  }
0x33: {  	p0 =	seq.s32 s10, $0x1;
	s10 =	sld [smem:$0x3FBA];
	_ =	sdelay $0x3  }
0x34: {  	[smem:$0x3FBA] =	sst s10  }
0x35: {  	s10 =	sld [smem:$0x3FB9];
	_ =	sdelay $0x3  }
0x36: {  	p1 =	seq.s32 s10, $0x1;
	s10 =	sld [smem:$0x3FBA];
	_ =	sdelay $0x3  }
0x37: {  	[smem:$0x3FBA] =	sst s10  }
0x38: {  	s10 =	sld [smem:$0x3FBB]  }
0x39: {  	_ = 	snop;
	(pc) =	sbr.ind lr, $3  }
0x3a: {  	_ = 	snop  }
0x3b: {  	_ = 	snop  }
0x3c: {  	p2 =	seq.s32 s10, $0x1;
	s10 =	sld [smem:$0x3FBA]  }
0x3d: {  	_ =	shalt  }
0x3e: {  	_ =	shalt  }
0x3f: {  	_ =	shalt  }
0x40: {  	_ =	shalt  }
0x41: {  	_ =	shalt  }
0x42: {  	_ =	shalt  }
0x43: {  	_ =	shalt  }
0x44: {  	_ =	shalt  }
0x45: {  	_ =	shalt  }
0x46: {  	_ =	shalt  }
0x47: {  	_ =	shalt  }
0x48: {  	_ =	shalt  }
0x49: {  	_ =	shalt  }
0x4a: {  	_ =	shalt  }
0x4b: {  	_ =	shalt  }
0x4c: {  	_ =	shalt  }
0x4d: {  	_ =	shalt  }
0x4e: {  	_ =	shalt  }
0x4f: {  	_ =	shalt  }
0x50: {  	_ =	shalt  }
0x51: {  	_ =	shalt  }
0x52: {  	_ =	shalt  }
0x53: {  	_ =	shalt  }
0x54: {  	_ =	shalt  }
0x55: {  	_ =	shalt  }
0x56: {  	_ =	shalt  }
0x57: {  	_ =	shalt  }
0x58: {  	_ =	shalt  }
0x59: {  	_ =	shalt  }
0x5a: {  	_ =	shalt  }
0x5b: {  	_ =	shalt  }
0x5c: {  	_ =	shalt  }
0x5d: {  	_ =	shalt  }
0x5e: {  	_ =	shalt  }
0x5f: {  	_ =	shalt  }
0x60: {  	_ =	shalt  }
0x61: {  	_ =	shalt  }
0x62: {  	_ =	shalt  }
0x63: {  	_ =	shalt  }
0x64: {  	_ =	shalt  }
0x65: {  	_ =	shalt  }
0x66: {  	_ =	shalt  }
0x67: {  	_ =	shalt  }
0x68: {  	_ =	shalt  }
0x69: {  	_ =	shalt  }
0x6a: {  	_ =	shalt  }
0x6b: {  	_ =	shalt  }
0x6c: {  	_ =	shalt  }
0x6d: {  	_ =	shalt  }
0x6e: {  	_ =	shalt  }
0x6f: {  	_ =	shalt  }
0x70: {  	_ =	shalt  }
0x71: {  	_ =	shalt  }
0x72: {  	_ =	shalt  }
0x73: {  	_ =	shalt  }
0x74: {  	_ =	shalt  }
0x75: {  	_ =	shalt  }
0x76: {  	_ =	shalt  }
0x77: {  	_ =	shalt  }
0x78: {  	_ =	shalt  }
0x79: {  	_ =	shalt  }
0x7a: {  	_ =	shalt  }
0x7b: {  	_ =	shalt  }
0x7c: {  	_ =	shalt  }
0x7d: {  	_ =	shalt  }
0x7e: {  	_ =	shalt  }
0x7f: {  	_ =	shalt  }
0x80: {  	_ =	shalt  }
0x81: {  	_ =	shalt  }
0x82: {  	_ =	shalt  }
0x83: {  	_ =	shalt  }
0x84: {  	_ =	shalt  }
0x85: {  	_ =	shalt  }
0x86: {  	_ =	shalt  }
0x87: {  	_ =	shalt  }
.Lfunc_end0:
.L_simem_size_0:
called_computation_lowered:
.L_overlay_start_0:
0x88: {  	s2 =	sld [smem:$0x3FD9]  }
0x89: {  	s3 =	sld [smem:$0x3FFE];
	_ =	sdelay $0x1  }
0x8a: {  	s1 =	srdreg.scid  }
0x8b: {  	s0 =	sand.u32 $0x1, s1  }
0x8c: {  	s17 =	sshll.u32 s0, $0xA;
	s2 =	sadd.s32 s3, s2  }
0x8d: {  	s2 =	sadd.s32 s2, s17  }
0x8e: {  	[smem:$0x3FC6] =	sst s2  }
0x8f: {  	_ = 	snop  }
0x90: {  	s2 =	sld [smem:$0x3FD0];
	(tm) =	ssettm $0x1  }
0x91: {  	s18 =	sld [smem:$0x3FFB];
	_ =	sdelay $0x3  }
0x92: {  	_ =	strace s18  }
0x93: {  	s3 =	sld [smem:$0x3FFC];
	_ =	sdelay $0x3  }
0x94: {  	_ =	strace s3  }
0x95: {  	s3 =	sld [smem:$0x3FFD];
	_ =	sdelay $0x3  }
0x96: {  	_ =	strace s3  }
0x97: {  	_ =	strace $0x8FFFFFFF  }
0x98: {  	s19 =	sld [smem:$0x3FDB];
	_ =	sdelay $0x1  }
0x99: {  	s4 =	simm.s32 $_scs_section_size  }
0x9a: {  	s5 =	simm.s32 $_size__tile_overlayer_lowered;
	s6 =	simm.s32 $_tile_overlayer_lowered  }
0x9b: {  	s22 =	simm.s32 $0x1BFF;
	s21 =	sshll.u32 s6, $0x1;
	s3 =	sadd.s32 s4, s19  }
0x9c: {  	s7 =	simm.s32 $0x0;
	s20 =	sshll.u32 s5, $0x1;
	s5 =	sadd.s32 s21, s3  }
0x9d: {  	[timem:s7], [sflag:s22] =	dma.local [hbm:s5], s20  }
0x9e: {  	_ =	swait.ge [sflag:s22], s20  }
0x9f: {  	s4 =	ssub.s32 $0x0, s20;
	[sflag:s22] =	ssyncset.done $0x0  }
0xa0: {  	[sflag:s22] =	ssyncadd.s32 s4;
	_ =	sdelay $0x1  }
0xa1: {  	s23 =	simm.s32 $0x1B8B  }
0xa2: {  	_ =	swait.ge [sflag:s23], $0x1  }
0xa3: {  	[sflag:s23] =	ssyncset.done $0x0  }
0xa4: {  	s25 =	simm.s32 $0x1B8E;
	s24 =	sld [smem:$0x3FFE];
	[sflag:s23] =	ssyncadd.s32 $0xFFFFFFFF  }
0xa5: {  	s26 =	simm.s32 $execute0_lowered;
	[smem:$0x3FD2] =	sst s25  }
0xa6: {  	s5 =	sshll.u32 s26, $0x1;
	_ =	strace $0x80000046;
	[dreg:$0x1] =	wrdreg $0xFFFFFFFF  }
0xa7: {  	s28 =	simm.s32 $_size_execute0_lowered;
	s3 =	sadd.s32 s3, s5;
	[dreg:$0x0] =	wrdreg $0x0  }
0xa8: {  	s5 =	sshll.u32 s28, $0x1;
	[dreg:$0x2] =	wrdreg s3  }
0xa9: {  	[dreg:$0x3] =	wrdreg s5  }
0xaa: {  	[dreg:$0x4] =	wrdreg $0xC0  }
0xab: {  	_ =	task [dreg:s7], $0x5FFFF  }
0xac: {  	[dreg:$0x1] =	wrdreg $0xFFFFFFFF  }
0xad: {  	[dreg:$0x0] =	wrdreg $0x60  }
0xae: {  	[dreg:$0x2] =	wrdreg s24  }
0xaf: {  	[dreg:$0x3] =	wrdreg s2  }
0xb0: {  	[dreg:$0x4] =	wrdreg $0x9  }
0xb1: {  	_ =	task.clear_ibuf [dreg:s7], $0x5FFFF;
	_ =	strace $0x90000046  }
0xb2: {  	s29 =	simm.s32 $0x9;
	_ =	strace $0x80000048  }
0xb3: {  	_ =	swait.ge [sflag:s29], $0x1  }
0xb4: {  	[sflag:s29] =	ssyncadd.s32 $0xFFFFFFFF  }
0xb5: {  	_ =	strace $0x90000048  }
0xb6: {  	_ =	sfence  }
0xb7: {  	s30 =	sld [smem:$0x0];
	_ =	sdelay $0x2  }
0xb8: {  	s31 =	sshll.u32 s1, $0xD;
	s1 =	sshrl.u32 s1, $0x2  }
0xb9: {  	s3 =	sand.u32 $0x4000, s31;
	s1 =	sadd.s32 s1, s30  }
0xba: {  	s0 =	sor.u32 s3, s0;
	s1 =	sshll.u32 s1, $0x11  }
0xbb: {  	s0 =	sor.u32 s1, s0  }
0xbc: {  	s0 =	sadd.s32 $0x8F2B, s0  }
0xbd: {  	[sflag:s0] =	ssyncadd.remote.s32 $0x1  }
0xbe: {  	_ =	sfence.sel $0xFFFF  }
0xbf: {  	[dreg:$0x0] =	wrdreg $0xFFFFFFFF;
	(pc) =	sbr.abs _section_cstart, $3  }
0xc0: {  	[dreg:$0x1] =	wrdreg $0xFFFFFFFF  }
0xc1: {  	_ =	task.clear_ibuf [dreg:s7], $0x2FFFF;
	_ =	strace $0x9FFFFFFF  }
0xc2: {  	(tm) =	ssettm $0x7FFFFFFF  }
0xc3: {  	_ =	shalt  }
tec
execute0_lowered:
.L_overlay_start_1:
0x0: {  	(tag) =	ssettag $0x1  }
0x1: {  	s0 =	rddreg [dreg:$0x0];
	s1 =	srdreg.scid  }
0x2: {  	s3 =	stileid.u32;
	s2 =	rddreg [dreg:$0x1];
	s8 =	simm.s32 $0x9  }
0x3: {  	s9 =	simm.s32 $0x80;
	s15 =	simm.s32 $0xC400;
	s16 =	simm.s32 $0x1  }
0x4: {  	s17 =	simm.s32 $0xE400;
	s18 =	simm.s32 $0x2;
	s19 =	simm.s32 $0x10600  }
0x5: {  	s20 =	simm.s32 $0x3;
	s21 =	simm.s32 $0x12800;
	s22 =	simm.s32 $0x4  }
0x6: {  	s23 =	simm.s32 $0x14A00;
	s24 =	simm.s32 $0x5;
	s25 =	simm.s32 $0x6  }
0x7: {  	s26 =	simm.s32 $0x7;
	s1 =	sand.u32 $0x1, s1;
	s4 =	sshll.u32 s3, $0x1  }
0x8: {  	s28 =	simm.s32 $0x8;
	s3 =	simm.s32 $0x0;
	s6 =	sor.u32 s1, s4  }
0x9: {  	v0 =	vlaneseq.u32;
	[smem:$0x7FF] =	sst s3;
	s1 =	ssub.s32 $0x2, s1;
	s4 =	smul.u32 $0xC80, s6  }
0xa: {  	s29 =	simm.s32 $0x0;
	v0 =	vmul.u32 $0x88, v0;
	_ =	strace $0x80000047;
	s5 =	sshrl.u32 s1, $0x1  }
0xb: {  	s6 =	smul.u32 $0xC8, s6;
	s31 =	ssub.s32 s1, s5;
	s7 =	sadd.s32 s4, s0  }
0xc: {  	v1 =	vadd.s32 $0x880, v0;
	v2 =	vadd.s32 $0x1100, v0;
	v3 =	vadd.s32 $0x1980, v0;
	s4 =	sadd.s32 $0x19400, s0;
	s5 =	sadd.s32 $0x400, s7;
	s7 =	smax.u32 s31, $0x1  }
.LBB2_1:
0xd: {  	[tilespmem:s3], [sflag:$0x9] =	stream.linear.gather [hbm4b:s5+s3], $0x6400, $0x38;
	[tilespmem:$0x16C00] =	vst v63  }
0xe: {  	_ =	swait.ge [sflag:s8], $0x6400  }
0xf: {  	[sflag:s8] =	ssyncset.done $0x0  }
0x10: {  	s0 =	simm.s32 $0x6400;
	[sflag:s8] =	ssyncadd.s32 $0xFFFF9C00  }
0x11: {  	[tilespmem:s0], [sflag:$0x1] =	stream.indirect.gather [hbm4b:s4+s9], $0x40, s3, s9, $0xb8;
	[tilespmem:$0x16C00] =	vst v63  }
0x12: {  	s13 =	simm.s32 $0x8400  }
0x13: {  	[tilespmem:s13], [sflag:$0x2] =	stream.indirect.gather [hbm4b:s4+s9], $0x40, s9, s9, $0xb8;
	[tilespmem:$0x16C00] =	vst v63  }
0x14: {  	s14 =	simm.s32 $0x100;
	s1 =	simm.s32 $0xA400  }
0x15: {  	[tilespmem:s1], [sflag:$0x3] =	stream.indirect.gather [hbm4b:s4+s9], $0x40, s14, s9, $0xb8;
	[tilespmem:$0x16C00] =	vst v63  }
0x16: {  	s31 =	simm.s32 $0x180;
	s30 =	simm.s32 $0x0  }
0x17: {  	[tilespmem:s15], [sflag:$0x4] =	stream.indirect.gather [hbm4b:s4+s9], $0x40, s31, s9, $0xb8;
	[tilespmem:$0x16C00] =	vst v63  }
.LBB2_2:
0x18: {  	_ =	swait.ge [sflag:s16], $0x2000  }
0x19: {  	p0 =	seq.s32 s30, $0x0;
	[sflag:s16] =	ssyncset.done $0x0  }
0x1a: {  	s0 =	simm.s32 @!p0 $0x5;
	[sflag:s16] =	ssyncadd.s32 $0xFFFFE000  }
0x1b: {  	s1 =	simm.s32 $0x3;
	_ =	swait.ge @!p0 [sflag:s0], $0x2000  }
0x1c: {  	s14 =	simm.s32 $0x0;
	v4 =	vmov s1;
	[sflag:s0] =	ssyncset.done @!p0 $0x0  }
0x1d: {  	s10 =	simm.s32 $0x1;
	v5 =	vand.u32 $0x7F, v4;
	v4 =	vmov s14;
	[sflag:s0] =	ssyncadd.s32 @!p0 $0xFFFFE000;
	s0 =	simm.s32 $0x6480  }
0x1e: {  	v8 =	vadd.s32 v0, v5;
	v6 =	vand.u32 $0x7C, v4;
	v4 =	vmov s10;
	v7 =	vld [tilespmem:s0+$0x40]  }
0x1f: {  	v10 =	vadd.s32 v0, v6;
	v11 =	vand.u32 $0x7D, v4;
	v9 =	vld [tilespmem:s0+$0xFFFFFF80]  }
0x20: {  	s11 =	simm.s32 $0x2;
	v12 =	vadd.s32 v0, v11;
	v4 =	vld [tilespmem:s0+$0xFFFFFFC0]  }
0x21: {  	v13 =	vmov s11  }
0x22: {  	v13 =	vand.u32 $0x7E, v13  }
0x23: {  	v15 =	vadd.s32 v0, v13;
	v14 =	vld [tilespmem:s0+$0x0];
	[tilespmem:v8+s17+$0x0] =	vst.idx.msk $0xffff, v7  }
0x24: {  	v8 =	vadd.s32 v1, v5;
	[tilespmem:v10+s17+$0x0] =	vst.idx.msk $0xffff, v9;
	v7 =	vld [tilespmem:s0+$0x50]  }
0x25: {  	v10 =	vadd.s32 v1, v6;
	[tilespmem:v12+s17+$0x0] =	vst.idx.msk $0xffff, v4;
	v9 =	vld [tilespmem:s0+$0xFFFFFF90]  }
0x26: {  	v12 =	vadd.s32 v1, v11;
	v4 =	vld [tilespmem:s0+$0xFFFFFFD0];
	_ =	sdelay $0x1  }
0x27: {  	[tilespmem:v15+s17+$0x0] =	vst.idx.msk $0xffff, v14  }
0x28: {  	v16 =	vadd.s32 v1, v13;
	v15 =	vld [tilespmem:s0+$0x10];
	[tilespmem:v8+s17+$0x0] =	vst.idx.msk $0xffff, v7  }
0x29: {  	s12 =	simm.s32 $0x7;
	v14 =	vadd.s32 v2, v5;
	[tilespmem:v10+s17+$0x0] =	vst.idx.msk $0xffff, v9;
	v7 =	vld [tilespmem:s0+$0x60]  }
0x2a: {  	v10 =	vadd.s32 v2, v6;
	v8 =	vmov s12;
	[tilespmem:v12+s17+$0x0] =	vst.idx.msk $0xffff, v4;
	v9 =	vld [tilespmem:s0+$0xFFFFFFA0]  }
0x2b: {  	s31 =	simm.s32 $0x6580;
	v17 =	vadd.s32 v2, v11;
	v8 =	vand.u32 $0x7F, v8;
	v12 =	vld [tilespmem:s0+$0xFFFFFFE0]  }
0x2c: {  	s10 =	simm.s32 $0x4;
	v18 =	vld [tilespmem:s31+$0x40];
	v19 =	vadd.s32 v0, v8  }
0x2d: {  	s13 =	simm.s32 $0x5;
	v4 =	vmov s10;
	[tilespmem:v16+s17+$0x0] =	vst.idx.msk $0xffff, v15  }
0x2e: {  	v22 =	vmov s13;
	v4 =	vand.u32 $0x7C, v4;
	[tilespmem:v14+s17+$0x0] =	vst.idx.msk $0xffff, v7  }
0x2f: {  	s14 =	simm.s32 $0x6;
	v20 =	vld [tilespmem:s31+$0xFFFFFF80];
	v21 =	vadd.s32 v0, v4;
	v7 =	vand.u32 $0x7D, v22;
	[tilespmem:v10+s17+$0x0] =	vst.idx.msk $0xffff, v9  }
0x30: {  	v14 =	vmov s14;
	v9 =	vld [tilespmem:s31+$0xFFFFFFC0];
	[tilespmem:v17+s17+$0x0] =	vst.idx.msk $0xffff, v12;
	v10 =	vadd.s32 v0, v7  }
0x31: {  	v16 =	vadd.s32 v3, v5;
	v12 =	vld [tilespmem:s0+$0x20];
	v5 =	vand.u32 $0x7E, v14;
	[tilespmem:v19+s17+$0x0] =	vst.idx.msk $0xffff, v18;
	v18 =	vadd.s32 v2, v13  }
0x32: {  	v14 =	vld [tilespmem:s31+$0x0];
	v63 =	vadd.s32 v0, v5  }
0x33: {  	v15 =	vld [tilespmem:s0+$0x70]  }
0x34: {  	[tilespmem:v21+s17+$0x0] =	vst.idx.msk $0xffff, v20;
	v20 =	vadd.s32 v1, v8;
	v19 =	vld [tilespmem:s31+$0x50]  }
0x35: {  	v23 =	vadd.s32 v1, v4;
	v21 =	vld [tilespmem:s31+$0xFFFFFF90];
	[tilespmem:v10+s17+$0x0] =	vst.idx.msk $0xffff, v9  }
0x36: {  	v25 =	vadd.s32 v3, v11;
	v24 =	vld [tilespmem:s0+$0xFFFFFFF0];
	[tilespmem:v18+s17+$0x0] =	vst.idx.msk $0xffff, v12  }
0x37: {  	v18 =	vadd.s32 v1, v7;
	v17 =	vld [tilespmem:s31+$0xFFFFFFD0];
	[tilespmem:v63+s17+$0x0] =	vst.idx.msk $0xffff, v14  }
0x38: {  	[tilespmem:v16+s17+$0x0] =	vst.idx.msk $0xffff, v15;
	v16 =	vadd.s32 v1, v5;
	v14 =	vld [tilespmem:s31+$0x10]  }
0x39: {  	v15 =	vadd.s32 v3, v13;
	[tilespmem:v20+s17+$0x0] =	vst.idx.msk $0xffff, v19;
	v10 =	vld [tilespmem:s0+$0x30]  }
0x3a: {  	s1 =	sshll.u32 s30, $0x2;
	v12 =	vadd.s32 v2, v8;
	[tilespmem:v23+s17+$0x0] =	vst.idx.msk $0xffff, v21;
	v9 =	vld [tilespmem:s31+$0x60]  }
0x3b: {  	s11 =	simm.s32 $0xC;
	s10 =	simm.s32 $0x8;
	s12 =	simm.s32 $0xB;
	v13 =	vadd.s32 v2, v4;
	[tilespmem:v25+s17+$0x0] =	vst.idx.msk $0xffff, v24;
	v11 =	vld [tilespmem:s31+$0xFFFFFFA0]  }
.LBB2_3:
0x3c: {  	p1 =	slt.u32 s11, $0x7C;
	v19 =	vmov s12;
	[tilespmem:v18+s17+$0x0] =	vst.idx.msk $0xffff, v17;
	v17 =	vld [tilespmem:s0+$0xFFFFFFB0];
	v18 =	vadd.s32 v3, v6;
	v6 =	vmov v4;
	s0 =	smov.u32 s31  }
0x3d: {  	v4 =	vmov s10;
	v21 =	vadd.s32 v2, v7;
	s31 =	sadd.s32 $0x100, s31;
	v19 =	vand.u32 $0x7F, v19;
	v20 =	vld [tilespmem:s0+$0xFFFFFFE0];
	[tilespmem:v16+s17+$0x0] =	vst.idx.msk $0xffff, v14  }
0x3e: {  	s12 =	sadd.s32 $0x1, s10;
	v4 =	vand.u32 $0x7C, v4;
	v14 =	vld [tilespmem:s31+$0x40];
	v16 =	vadd.s32 v0, v19;
	[tilespmem:v15+s17+$0x0] =	vst.idx.msk $0xffff, v10  }
0x3f: {  	v22 =	vmov s12;
	s12 =	sadd.s32 $0x2, s10;
	s10 =	smov.u32 s11;
	v15 =	vadd.s32 v0, v4;
	v10 =	vld [tilespmem:s31+$0xFFFFFF80];
	[tilespmem:v12+s17+$0x0] =	vst.idx.msk $0xffff, v9  }
0x40: {  	v9 =	vand.u32 $0x7D, v22;
	v12 =	vmov s12;
	[tilespmem:v13+s17+$0x0] =	vst.idx.msk $0xffff, v11;
	v11 =	vld [tilespmem:s0+$0x70];
	v13 =	vadd.s32 v3, v8;
	v8 =	vmovc v19  }
0x41: {  	v22 =	vadd.s32 v0, v9;
	v12 =	vand.u32 $0x7E, v12;
	v19 =	vld [tilespmem:s31+$0xFFFFFFC0];
	[tilespmem:v18+s17+$0x0] =	vst.idx.msk $0xffff, v17  }
0x42: {  	v24 =	vadd.s32 v0, v12;
	v23 =	vld [tilespmem:s31+$0x0];
	[tilespmem:v21+s17+$0x0] =	vst.idx.msk $0xffff, v20  }
0x43: {  	v21 =	vadd.s32 v2, v5;
	[tilespmem:v16+s17+$0x0] =	vst.idx.msk $0xffff, v14;
	v20 =	vld [tilespmem:s0+$0x20]  }
0x44: {  	[tilespmem:v15+s17+$0x0] =	vst.idx.msk $0xffff, v10;
	v10 =	vld [tilespmem:s31+$0x50];
	v15 =	vadd.s32 v1, v8  }
0x45: {  	v26 =	vadd.s32 v1, v4;
	v25 =	vld [tilespmem:s31+$0xFFFFFF90];
	[tilespmem:v13+s17+$0x0] =	vst.idx.msk $0xffff, v11  }
0x46: {  	[tilespmem:v22+s17+$0x0] =	vst.idx.msk $0xffff, v19;
	v19 =	vld [tilespmem:s0+$0xFFFFFFF0];
	v22 =	vadd.s32 v3, v7;
	v7 =	vmov v9  }
.Ltmp0:
0x47: {  	v17 =	vld [tilespmem:s31+$0xFFFFFFD0];
	v18 =	vadd.s32 v1, v7;
	[tilespmem:v24+s17+$0x0] =	vst.idx.msk $0xffff, v23;
	(pc) =	sbr.rel @p1 .LBB2_3-.Ltmp0, $4  }
0x48: {  	v16 =	vadd.s32 v1, v12;
	v14 =	vld [tilespmem:s31+$0x10];
	[tilespmem:v21+s17+$0x0] =	vst.idx.msk $0xffff, v20  }
0x49: {  	[tilespmem:v15+s17+$0x0] =	vst.idx.msk $0xffff, v10;
	v10 =	vld [tilespmem:s0+$0x30];
	v15 =	vadd.s32 v3, v5;
	v5 =	vmov v12  }
0x4a: {  	v12 =	vadd.s32 v2, v8;
	[tilespmem:v26+s17+$0x0] =	vst.idx.msk $0xffff, v25;
	v9 =	vld [tilespmem:s31+$0x60]  }
0x4b: {  	s11 =	sadd.s32 $0x4, s11;
	s12 =	sadd.s32 $0x3, s10;
	v13 =	vadd.s32 v2, v4;
	v11 =	vld [tilespmem:s31+$0xFFFFFFA0];
	[tilespmem:v22+s17+$0x0] =	vst.idx.msk $0xffff, v19  }
0x4c: {  	_ =	sdelay $0x2  }
0x4d: {  	v19 =	vmov s12  }
0x4e: {  	s11 =	sadd.s32 $0x1, s10;
	[tilespmem:v18+s17+$0x0] =	vst.idx.msk $0xffff, v17;
	v30 =	vld [tilespmem:s0+$0xFFFFFFB0];
	v6 =	vadd.s32 v3, v6;
	s13 =	sadd.s32 $0x100, s31;
	v21 =	vmov s10;
	v31 =	vand.u32 $0x7F, v19  }
0x4f: {  	s14 =	sadd.s32 $0x2, s10;
	v32 =	vmov s11;
	[tilespmem:v16+s17+$0x0] =	vst.idx.msk $0xffff, v14;
	v33 =	vld [tilespmem:s13+$0x40];
	v21 =	vand.u32 $0x7C, v21;
	v34 =	vadd.s32 v0, v31  }
0x50: {  	v20 =	vmov s14;
	v22 =	vld [tilespmem:s13+$0xFFFFFF80];
	v19 =	vand.u32 $0x7D, v32;
	[tilespmem:v15+s17+$0x0] =	vst.idx.msk $0xffff, v10;
	v39 =	vadd.s32 v0, v21  }
0x51: {  	v35 =	vld [tilespmem:s13+$0xFFFFFFC0];
	v20 =	vand.u32 $0x7E, v20;
	v36 =	vadd.s32 v0, v19;
	[tilespmem:v12+s17+$0x0] =	vst.idx.msk $0xffff, v9  }
0x52: {  	v37 =	vld [tilespmem:s13+$0x0];
	v38 =	vadd.s32 v0, v20;
	[tilespmem:v13+s17+$0x0] =	vst.idx.msk $0xffff, v11  }
0x53: {  	v41 =	vadd.s32 v2, v7;
	v40 =	vld [tilespmem:s31+$0xFFFFFFE0];
	[tilespmem:v6+s17+$0x0] =	vst.idx.msk $0xffff, v30  }
0x54: {  	v49 =	vadd.s32 v2, v5;
	v48 =	vld [tilespmem:s31+$0x20];
	[tilespmem:v34+s17+$0x0] =	vst.idx.msk $0xffff, v33  }
0x55: {  	v43 =	vadd.s32 v1, v31;
	[tilespmem:v39+s17+$0x0] =	vst.idx.msk $0xffff, v22;
	v14 =	vld [tilespmem:s13+$0x50]  }
0x56: {  	v47 =	vadd.s32 v1, v21;
	[tilespmem:v36+s17+$0x0] =	vst.idx.msk $0xffff, v35;
	v46 =	vld [tilespmem:s13+$0xFFFFFF90]  }
0x57: {  	v44 =	vadd.s32 v1, v19;
	[tilespmem:v38+s17+$0x0] =	vst.idx.msk $0xffff, v37;
	v10 =	vld [tilespmem:s13+$0xFFFFFFD0]  }
0x58: {  	v45 =	vadd.s32 v1, v20;
	[tilespmem:v41+s17+$0x0] =	vst.idx.msk $0xffff, v40;
	v9 =	vld [tilespmem:s13+$0x10]  }
0x59: {  	v8 =	vadd.s32 v3, v8;
	v42 =	vld [tilespmem:s31+$0x70];
	[tilespmem:v49+s17+$0x0] =	vst.idx.msk $0xffff, v48  }
0x5a: {  	v5 =	vadd.s32 v3, v5;
	v13 =	vld [tilespmem:s31+$0x30];
	[tilespmem:v43+s17+$0x0] =	vst.idx.msk $0xffff, v14  }
0x5b: {  	v52 =	vadd.s32 v2, v31;
	[tilespmem:v47+s17+$0x0] =	vst.idx.msk $0xffff, v46;
	v14 =	vld [tilespmem:s13+$0x60]  }
0x5c: {  	v57 =	vadd.s32 v2, v21;
	[tilespmem:v44+s17+$0x0] =	vst.idx.msk $0xffff, v10;
	v56 =	vld [tilespmem:s13+$0xFFFFFFA0]  }
0x5d: {  	v53 =	vadd.s32 v2, v19;
	[tilespmem:v45+s17+$0x0] =	vst.idx.msk $0xffff, v9;
	v10 =	vld [tilespmem:s13+$0xFFFFFFE0]  }
0x5e: {  	v55 =	vadd.s32 v2, v20;
	[tilespmem:v8+s17+$0x0] =	vst.idx.msk $0xffff, v42;
	v54 =	vld [tilespmem:s13+$0x20]  }
0x5f: {  	v4 =	vadd.s32 v3, v4;
	v58 =	vld [tilespmem:s31+$0xFFFFFFB0];
	[tilespmem:v5+s17+$0x0] =	vst.idx.msk $0xffff, v13  }
0x60: {  	v51 =	vadd.s32 v3, v7;
	v50 =	vld [tilespmem:s31+$0xFFFFFFF0];
	[tilespmem:v52+s17+$0x0] =	vst.idx.msk $0xffff, v14  }
0x61: {  	v60 =	vadd.s32 v3, v31;
	[tilespmem:v57+s17+$0x0] =	vst.idx.msk $0xffff, v56;
	v59 =	vld [tilespmem:s13+$0x70]  }
0x62: {  	v63 =	vadd.s32 v3, v21;
	[tilespmem:v53+s17+$0x0] =	vst.idx.msk $0xffff, v10;
	v5 =	vld [tilespmem:s13+$0xFFFFFFB0]  }
0x63: {  	v61 =	vadd.s32 v3, v19;
	[tilespmem:v55+s17+$0x0] =	vst.idx.msk $0xffff, v54;
	v10 =	vld [tilespmem:s13+$0xFFFFFFF0]  }
0x64: {  	v62 =	vadd.s32 v3, v20;
	[tilespmem:v4+s17+$0x0] =	vst.idx.msk $0xffff, v58;
	v6 =	vld [tilespmem:s13+$0x30]  }
0x65: {  	[tilespmem:v51+s17+$0x0] =	vst.idx.msk $0xffff, v50  }
0x66: {  	p1 =	seq.s32 s30, $0x31;
	[tilespmem:v60+s17+$0x0] =	vst.idx.msk $0xffff, v59  }
0x67: {  	s0 =	sshll.u32 @!p1 s30, $0x9;
	[tilespmem:v63+s17+$0x0] =	vst.idx.msk $0xffff, v5  }
0x68: {  	s12 =	sadd.s32 s6, s1;
	s10 =	simm.s32 @!p1 $0x80;
	s31 =	sand.u32 @!p1 $0x3FFFFE00, s0;
	[tilespmem:v61+s17+$0x0] =	vst.idx.msk $0xffff, v10  }
0x69: {  	s11 =	simm.s32 @!p1 $0x6400;
	s0 =	sadd.s32 @!p1 $0x200, s31;
	s13 =	sshll.u32 s12, $0x7;
	[tilespmem:v62+s17+$0x0] =	vst.idx.msk $0xffff, v6  }
0x6a: {  	[tilespmem:s11], [sflag:$0x1] =	stream.indirect.gather @!p1 [hbm4b:s4+s10], $0x40, s0, s10, $0xb8;
	[tilespmem:$0x16C00] =	vst v63  }
0x6b: {  	s0 =	sshll.u32 s12, $0xA;
	s10 =	sand.u32 $0xE00, s13  }
0x6c: {  	s0 =	sand.u32 $0xFFF8000, s0;
	s10 =	sadd.s32 s2, s10  }
0x6d: {  	s14 =	simm.s32 $0xE400;
	s10 =	sadd.s32 s0, s10  }
0x6e: {  	[hbm4b:s10+s3] =	stream.linear.scatter [tilespmem:s14], [sflag:$0x5], $0x80, $0x38;
	[tilespmem:$0x16C00] =	vst v63  }
0x6f: {  	s11 =	simm.s32 $0xE488;
	s12 =	sadd.s32 $0x10, s10  }
0x70: {  	[hbm4b:s12+s3] =	stream.linear.scatter [tilespmem:s11], [sflag:$0x5], $0x80, $0x38;
	[tilespmem:$0x16C00] =	vst v63  }
0x71: {  	s13 =	simm.s32 $0xE510;
	s14 =	sadd.s32 $0x20, s10  }
0x72: {  	[hbm4b:s14+s3] =	stream.linear.scatter [tilespmem:s13], [sflag:$0x5], $0x80, $0x38;
	[tilespmem:$0x16C00] =	vst v63  }
0x73: {  	s11 =	simm.s32 $0xE598;
	s12 =	sadd.s32 $0x30, s10  }
0x74: {  	[hbm4b:s12+s3] =	stream.linear.scatter [tilespmem:s11], [sflag:$0x5], $0x80, $0x38;
	[tilespmem:$0x16C00] =	vst v63  }
0x75: {  	s13 =	simm.s32 $0xE620;
	s14 =	sadd.s32 $0x40, s10  }
0x76: {  	[hbm4b:s14+s3] =	stream.linear.scatter [tilespmem:s13], [sflag:$0x5], $0x80, $0x38;
	[tilespmem:$0x16C00] =	vst v63  }
0x77: {  	s0 =	simm.s32 $0x440;
	s11 =	simm.s32 $0xE6A8;
	s12 =	sadd.s32 $0x50, s10  }
0x78: {  	[hbm4b:s12+s3] =	stream.linear.scatter [tilespmem:s11], [sflag:$0x5], $0x80, $0x38;
	[tilespmem:$0x16C00] =	vst v63  }
0x79: {  	s13 =	simm.s32 $0xE730;
	s14 =	sadd.s32 $0x60, s10;
	s11 =	simm.s32 $0x2200  }
0x7a: {  	[hbm4b:s14+s3] =	stream.linear.scatter [tilespmem:s13], [sflag:$0x5], $0x80, $0x38;
	[tilespmem:$0x16C00] =	vst v63  }
0x7b: {  	s12 =	simm.s32 $0xE7B8;
	s13 =	sadd.s32 $0x70, s10;
	s10 =	sadd.s32 $0x1000, s10  }
.LBB2_5:
0x7c: {  	[hbm4b:s13+s3] =	stream.linear.scatter [tilespmem:s12], [sflag:$0x5], $0x80, $0x38;
	[tilespmem:$0x16C00] =	vst v63  }
0x7d: {  	s12 =	smov.u32 s0;
	s0 =	smov.u32 s11  }
0x7e: {  	s14 =	sadd.s32 $0x1100, s11;
	s0 =	sshra.s32 s0, $0x2;
	s13 =	sadd.s32 $0xE400, s12  }
0x7f: {  	[hbm4b:s10+s3] =	stream.linear.scatter [tilespmem:s13], [sflag:$0x5], $0x80, $0x38;
	[tilespmem:$0x16C00] =	vst v63  }
0x80: {  	p2 =	sne.s32 s11, $0x7700;
	s11 =	sadd.s32 $0xE488, s12;
	s13 =	sadd.s32 $0x10, s10  }
0x81: {  	[hbm4b:s13+s3] =	stream.linear.scatter [tilespmem:s11], [sflag:$0x5], $0x80, $0x38;
	[tilespmem:$0x16C00] =	vst v63  }
0x82: {  	s11 =	sadd.s32 $0xE510, s12;
	s13 =	sadd.s32 $0x20, s10  }
0x83: {  	[hbm4b:s13+s3] =	stream.linear.scatter [tilespmem:s11], [sflag:$0x5], $0x80, $0x38;
	[tilespmem:$0x16C00] =	vst v63  }
0x84: {  	s11 =	sadd.s32 $0xE598, s12;
	s13 =	sadd.s32 $0x30, s10  }
0x85: {  	[hbm4b:s13+s3] =	stream.linear.scatter [tilespmem:s11], [sflag:$0x5], $0x80, $0x38;
	[tilespmem:$0x16C00] =	vst v63  }
0x86: {  	s11 =	sadd.s32 $0xE620, s12;
	s13 =	sadd.s32 $0x40, s10  }
0x87: {  	[hbm4b:s13+s3] =	stream.linear.scatter [tilespmem:s11], [sflag:$0x5], $0x80, $0x38;
	[tilespmem:$0x16C00] =	vst v63  }
.Ltmp1:
0x88: {  	s11 =	sadd.s32 $0xE6A8, s12;
	s13 =	sadd.s32 $0x50, s10;
	(pc) =	sbr.rel @p2 .LBB2_5-.Ltmp1, $4  }
0x89: {  	[hbm4b:s13+s3] =	stream.linear.scatter [tilespmem:s11], [sflag:$0x5], $0x80, $0x38;
	[tilespmem:$0x16C00] =	vst v63  }
0x8a: {  	s11 =	sadd.s32 $0xE730, s12;
	s13 =	sadd.s32 $0x60, s10;
	s12 =	sadd.s32 $0xE7B8, s12  }
0x8b: {  	[hbm4b:s13+s3] =	stream.linear.scatter [tilespmem:s11], [sflag:$0x5], $0x80, $0x38;
	[tilespmem:$0x16C00] =	vst v63  }
0x8c: {  	s13 =	sadd.s32 $0x70, s10;
	s10 =	sadd.s32 $0x1000, s10;
	s11 =	smov.u32 s14  }
0x8d: {  	[hbm4b:s13+s3] =	stream.linear.scatter [tilespmem:s12], [sflag:$0x5], $0x80, $0x38;
	[tilespmem:$0x16C00] =	vst v63  }
0x8e: {  	s11 =	sadd.s32 $0xE400, s0  }
0x8f: {  	[hbm4b:s10+s3] =	stream.linear.scatter [tilespmem:s11], [sflag:$0x5], $0x80, $0x38;
	[tilespmem:$0x16C00] =	vst v63  }
0x90: {  	s13 =	sadd.s32 $0xE488, s0;
	s14 =	sadd.s32 $0x10, s10  }
0x91: {  	[hbm4b:s14+s3] =	stream.linear.scatter [tilespmem:s13], [sflag:$0x5], $0x80, $0x38;
	[tilespmem:$0x16C00] =	vst v63  }
0x92: {  	s13 =	sadd.s32 $0xE510, s0;
	s14 =	sadd.s32 $0x20, s10  }
0x93: {  	[hbm4b:s14+s3] =	stream.linear.scatter [tilespmem:s13], [sflag:$0x5], $0x80, $0x38;
	[tilespmem:$0x16C00] =	vst v63  }
0x94: {  	s13 =	sadd.s32 $0xE598, s0;
	s14 =	sadd.s32 $0x30, s10  }
0x95: {  	[hbm4b:s14+s3] =	stream.linear.scatter [tilespmem:s13], [sflag:$0x5], $0x80, $0x38;
	[tilespmem:$0x16C00] =	vst v63  }
0x96: {  	s13 =	sadd.s32 $0xE620, s0;
	s14 =	sadd.s32 $0x40, s10  }
0x97: {  	[hbm4b:s14+s3] =	stream.linear.scatter [tilespmem:s13], [sflag:$0x5], $0x80, $0x38;
	[tilespmem:$0x16C00] =	vst v63  }
0x98: {  	s13 =	sadd.s32 $0xE6A8, s0;
	s14 =	sadd.s32 $0x50, s10  }
0x99: {  	[hbm4b:s14+s3] =	stream.linear.scatter [tilespmem:s13], [sflag:$0x5], $0x80, $0x38;
	[tilespmem:$0x16C00] =	vst v63  }
0x9a: {  	s13 =	sadd.s32 $0xE730, s0;
	s14 =	sadd.s32 $0x60, s10  }
0x9b: {  	[hbm4b:s14+s3] =	stream.linear.scatter [tilespmem:s13], [sflag:$0x5], $0x80, $0x38;
	[tilespmem:$0x16C00] =	vst v63  }
0x9c: {  	s13 =	sadd.s32 $0xE7B8, s0;
	s14 =	sadd.s32 $0x70, s10  }
0x9d: {  	[hbm4b:s14+s3] =	stream.linear.scatter [tilespmem:s13], [sflag:$0x5], $0x80, $0x38;
	[tilespmem:$0x16C00] =	vst v63  }
0x9e: {  	_ =	swait.ge [sflag:s18], $0x2000  }
0x9f: {  	[sflag:s18] =	ssyncset.done $0x0  }
0xa0: {  	s0 =	simm.s32 @!p0 $0x6;
	[sflag:s18] =	ssyncadd.s32 $0xFFFFE000  }
0xa1: {  	s11 =	simm.s32 $0x3;
	_ =	swait.ge @!p0 [sflag:s0], $0x2000  }
0xa2: {  	s12 =	simm.s32 $0x0;
	v4 =	vmov s11;
	[sflag:s0] =	ssyncset.done @!p0 $0x0  }
0xa3: {  	v5 =	vand.u32 $0x7F, v4;
	v4 =	vmov s12;
	s10 =	simm.s32 $0x8480;
	s13 =	simm.s32 $0x1;
	[sflag:s0] =	ssyncadd.s32 @!p0 $0xFFFFE000  }
0xa4: {  	v8 =	vadd.s32 v0, v5;
	v6 =	vand.u32 $0x7C, v4;
	v4 =	vmov s13;
	v7 =	vld [tilespmem:s10+$0x40]  }
0xa5: {  	v10 =	vadd.s32 v0, v6;
	v11 =	vand.u32 $0x7D, v4;
	v9 =	vld [tilespmem:s10+$0xFFFFFF80]  }
0xa6: {  	s14 =	simm.s32 $0x2;
	v12 =	vadd.s32 v0, v11;
	v4 =	vld [tilespmem:s10+$0xFFFFFFC0]  }
0xa7: {  	v13 =	vmov s14  }
0xa8: {  	v13 =	vand.u32 $0x7E, v13  }
0xa9: {  	v15 =	vadd.s32 v0, v13;
	v14 =	vld [tilespmem:s10+$0x0];
	[tilespmem:v8+s19+$0x0] =	vst.idx.msk $0xffff, v7  }
0xaa: {  	v8 =	vadd.s32 v1, v5;
	[tilespmem:v10+s19+$0x0] =	vst.idx.msk $0xffff, v9;
	v7 =	vld [tilespmem:s10+$0x50]  }
0xab: {  	v10 =	vadd.s32 v1, v6;
	[tilespmem:v12+s19+$0x0] =	vst.idx.msk $0xffff, v4;
	v9 =	vld [tilespmem:s10+$0xFFFFFF90]  }
0xac: {  	v12 =	vadd.s32 v1, v11;
	v4 =	vld [tilespmem:s10+$0xFFFFFFD0];
	_ =	sdelay $0x1  }
0xad: {  	[tilespmem:v15+s19+$0x0] =	vst.idx.msk $0xffff, v14  }
0xae: {  	v16 =	vadd.s32 v1, v13;
	v15 =	vld [tilespmem:s10+$0x10];
	[tilespmem:v8+s19+$0x0] =	vst.idx.msk $0xffff, v7  }
0xaf: {  	s11 =	simm.s32 $0x7;
	v14 =	vadd.s32 v2, v5;
	[tilespmem:v10+s19+$0x0] =	vst.idx.msk $0xffff, v9;
	v7 =	vld [tilespmem:s10+$0x60]  }
0xb0: {  	v10 =	vadd.s32 v2, v6;
	v8 =	vmov s11;
	[tilespmem:v12+s19+$0x0] =	vst.idx.msk $0xffff, v4;
	v9 =	vld [tilespmem:s10+$0xFFFFFFA0]  }
0xb1: {  	v17 =	vadd.s32 v2, v11;
	s0 =	simm.s32 $0x8580;
	v8 =	vand.u32 $0x7F, v8;
	v12 =	vld [tilespmem:s10+$0xFFFFFFE0]  }
0xb2: {  	s12 =	simm.s32 $0x4;
	v18 =	vld [tilespmem:s0+$0x40];
	v19 =	vadd.s32 v0, v8  }
0xb3: {  	s13 =	simm.s32 $0x5;
	v4 =	vmov s12;
	[tilespmem:v16+s19+$0x0] =	vst.idx.msk $0xffff, v15  }
0xb4: {  	v22 =	vmov s13;
	v4 =	vand.u32 $0x7C, v4;
	[tilespmem:v14+s19+$0x0] =	vst.idx.msk $0xffff, v7  }
0xb5: {  	s14 =	simm.s32 $0x6;
	v20 =	vld [tilespmem:s0+$0xFFFFFF80];
	v21 =	vadd.s32 v0, v4;
	v7 =	vand.u32 $0x7D, v22;
	[tilespmem:v10+s19+$0x0] =	vst.idx.msk $0xffff, v9  }
0xb6: {  	v14 =	vmov s14;
	v9 =	vld [tilespmem:s0+$0xFFFFFFC0];
	[tilespmem:v17+s19+$0x0] =	vst.idx.msk $0xffff, v12;
	v10 =	vadd.s32 v0, v7  }
0xb7: {  	v16 =	vadd.s32 v3, v5;
	v12 =	vld [tilespmem:s10+$0x20];
	v5 =	vand.u32 $0x7E, v14;
	[tilespmem:v19+s19+$0x0] =	vst.idx.msk $0xffff, v18;
	v18 =	vadd.s32 v2, v13  }
0xb8: {  	v14 =	vld [tilespmem:s0+$0x0];
	v63 =	vadd.s32 v0, v5  }
0xb9: {  	v15 =	vld [tilespmem:s10+$0x70]  }
0xba: {  	[tilespmem:v21+s19+$0x0] =	vst.idx.msk $0xffff, v20;
	v20 =	vadd.s32 v1, v8;
	v19 =	vld [tilespmem:s0+$0x50]  }
0xbb: {  	v23 =	vadd.s32 v1, v4;
	v21 =	vld [tilespmem:s0+$0xFFFFFF90];
	[tilespmem:v10+s19+$0x0] =	vst.idx.msk $0xffff, v9  }
0xbc: {  	v25 =	vadd.s32 v3, v11;
	v24 =	vld [tilespmem:s10+$0xFFFFFFF0];
	[tilespmem:v18+s19+$0x0] =	vst.idx.msk $0xffff, v12  }
0xbd: {  	v18 =	vadd.s32 v1, v7;
	v17 =	vld [tilespmem:s0+$0xFFFFFFD0];
	[tilespmem:v63+s19+$0x0] =	vst.idx.msk $0xffff, v14  }
0xbe: {  	[tilespmem:v16+s19+$0x0] =	vst.idx.msk $0xffff, v15;
	v16 =	vadd.s32 v1, v5;
	v15 =	vld [tilespmem:s0+$0x10]  }
0xbf: {  	[tilespmem:v20+s19+$0x0] =	vst.idx.msk $0xffff, v19;
	v11 =	vld [tilespmem:s10+$0x30];
	v14 =	vadd.s32 v3, v13  }
0xc0: {  	v12 =	vadd.s32 v2, v8;
	[tilespmem:v23+s19+$0x0] =	vst.idx.msk $0xffff, v21;
	v9 =	vld [tilespmem:s0+$0x60]  }
0xc1: {  	s13 =	simm.s32 $0xB;
	s11 =	simm.s32 $0x8;
	s12 =	simm.s32 $0xC;
	[tilespmem:v25+s19+$0x0] =	vst.idx.msk $0xffff, v24;
	v13 =	vadd.s32 v2, v4;
	v10 =	vld [tilespmem:s0+$0xFFFFFFA0]  }
.LBB2_7:
0xc2: {  	p2 =	slt.u32 s12, $0x7C;
	v19 =	vmov s13;
	[tilespmem:v18+s19+$0x0] =	vst.idx.msk $0xffff, v17;
	v17 =	vld [tilespmem:s10+$0xFFFFFFB0];
	v18 =	vadd.s32 v3, v6;
	v6 =	vmov v4;
	s10 =	smov.u32 s0  }
0xc3: {  	v4 =	vmov s11;
	v21 =	vadd.s32 v2, v7;
	s0 =	sadd.s32 $0x100, s0;
	v19 =	vand.u32 $0x7F, v19;
	v20 =	vld [tilespmem:s10+$0xFFFFFFE0];
	[tilespmem:v16+s19+$0x0] =	vst.idx.msk $0xffff, v15  }
0xc4: {  	s13 =	sadd.s32 $0x1, s11;
	v4 =	vand.u32 $0x7C, v4;
	v15 =	vld [tilespmem:s0+$0x40];
	v16 =	vadd.s32 v0, v19;
	[tilespmem:v14+s19+$0x0] =	vst.idx.msk $0xffff, v11  }
0xc5: {  	v22 =	vmov s13;
	s13 =	sadd.s32 $0x2, s11;
	s11 =	smov.u32 s12;
	v14 =	vadd.s32 v0, v4;
	v11 =	vld [tilespmem:s0+$0xFFFFFF80];
	[tilespmem:v12+s19+$0x0] =	vst.idx.msk $0xffff, v9  }
0xc6: {  	v9 =	vand.u32 $0x7D, v22;
	v12 =	vmov s13;
	[tilespmem:v13+s19+$0x0] =	vst.idx.msk $0xffff, v10;
	v10 =	vld [tilespmem:s10+$0x70];
	v13 =	vadd.s32 v3, v8;
	v8 =	vmovc v19  }
0xc7: {  	v22 =	vadd.s32 v0, v9;
	v12 =	vand.u32 $0x7E, v12;
	v19 =	vld [tilespmem:s0+$0xFFFFFFC0];
	[tilespmem:v18+s19+$0x0] =	vst.idx.msk $0xffff, v17  }
0xc8: {  	v24 =	vadd.s32 v0, v12;
	v23 =	vld [tilespmem:s0+$0x0];
	[tilespmem:v21+s19+$0x0] =	vst.idx.msk $0xffff, v20  }
0xc9: {  	v21 =	vadd.s32 v2, v5;
	[tilespmem:v16+s19+$0x0] =	vst.idx.msk $0xffff, v15;
	v20 =	vld [tilespmem:s10+$0x20]  }
0xca: {  	[tilespmem:v14+s19+$0x0] =	vst.idx.msk $0xffff, v11;
	v11 =	vld [tilespmem:s0+$0x50];
	v14 =	vadd.s32 v1, v8  }
0xcb: {  	v26 =	vadd.s32 v1, v4;
	v25 =	vld [tilespmem:s0+$0xFFFFFF90];
	[tilespmem:v13+s19+$0x0] =	vst.idx.msk $0xffff, v10  }
0xcc: {  	[tilespmem:v22+s19+$0x0] =	vst.idx.msk $0xffff, v19;
	v19 =	vld [tilespmem:s10+$0xFFFFFFF0];
	v22 =	vadd.s32 v3, v7;
	v7 =	vmov v9  }
.Ltmp2:
0xcd: {  	v17 =	vld [tilespmem:s0+$0xFFFFFFD0];
	v18 =	vadd.s32 v1, v7;
	[tilespmem:v24+s19+$0x0] =	vst.idx.msk $0xffff, v23;
	(pc) =	sbr.rel @p2 .LBB2_7-.Ltmp2, $4  }
0xce: {  	v16 =	vadd.s32 v1, v12;
	v15 =	vld [tilespmem:s0+$0x10];
	[tilespmem:v21+s19+$0x0] =	vst.idx.msk $0xffff, v20  }
0xcf: {  	[tilespmem:v14+s19+$0x0] =	vst.idx.msk $0xffff, v11;
	v11 =	vld [tilespmem:s10+$0x30];
	v14 =	vadd.s32 v3, v5;
	v5 =	vmov v12  }
0xd0: {  	v12 =	vadd.s32 v2, v8;
	[tilespmem:v26+s19+$0x0] =	vst.idx.msk $0xffff, v25;
	v9 =	vld [tilespmem:s0+$0x60]  }
0xd1: {  	s12 =	sadd.s32 $0x4, s12;
	s13 =	sadd.s32 $0x3, s11;
	v13 =	vadd.s32 v2, v4;
	v10 =	vld [tilespmem:s0+$0xFFFFFFA0];
	[tilespmem:v22+s19+$0x0] =	vst.idx.msk $0xffff, v19  }
0xd2: {  	_ =	sdelay $0x2  }
0xd3: {  	v19 =	vmov s13  }
0xd4: {  	s12 =	sadd.s32 $0x1, s11;
	[tilespmem:v18+s19+$0x0] =	vst.idx.msk $0xffff, v17;
	v30 =	vld [tilespmem:s10+$0xFFFFFFB0];
	v6 =	vadd.s32 v3, v6;
	s13 =	sadd.s32 $0x100, s0;
	v21 =	vmov s11;
	v31 =	vand.u32 $0x7F, v19  }
0xd5: {  	s14 =	sadd.s32 $0x2, s11;
	v32 =	vmov s12;
	[tilespmem:v16+s19+$0x0] =	vst.idx.msk $0xffff, v15;
	v33 =	vld [tilespmem:s13+$0x40];
	v21 =	vand.u32 $0x7C, v21;
	v34 =	vadd.s32 v0, v31  }
0xd6: {  	v20 =	vmov s14;
	v22 =	vld [tilespmem:s13+$0xFFFFFF80];
	v19 =	vand.u32 $0x7D, v32;
	[tilespmem:v14+s19+$0x0] =	vst.idx.msk $0xffff, v11;
	v39 =	vadd.s32 v0, v21  }
0xd7: {  	v35 =	vld [tilespmem:s13+$0xFFFFFFC0];
	v20 =	vand.u32 $0x7E, v20;
	v36 =	vadd.s32 v0, v19;
	[tilespmem:v12+s19+$0x0] =	vst.idx.msk $0xffff, v9  }
0xd8: {  	v37 =	vld [tilespmem:s13+$0x0];
	v38 =	vadd.s32 v0, v20;
	[tilespmem:v13+s19+$0x0] =	vst.idx.msk $0xffff, v10  }
0xd9: {  	v41 =	vadd.s32 v2, v7;
	v40 =	vld [tilespmem:s0+$0xFFFFFFE0];
	[tilespmem:v6+s19+$0x0] =	vst.idx.msk $0xffff, v30  }
0xda: {  	v49 =	vadd.s32 v2, v5;
	v48 =	vld [tilespmem:s0+$0x20];
	[tilespmem:v34+s19+$0x0] =	vst.idx.msk $0xffff, v33  }
0xdb: {  	v43 =	vadd.s32 v1, v31;
	[tilespmem:v39+s19+$0x0] =	vst.idx.msk $0xffff, v22;
	v15 =	vld [tilespmem:s13+$0x50]  }
0xdc: {  	v47 =	vadd.s32 v1, v21;
	[tilespmem:v36+s19+$0x0] =	vst.idx.msk $0xffff, v35;
	v46 =	vld [tilespmem:s13+$0xFFFFFF90]  }
0xdd: {  	v44 =	vadd.s32 v1, v19;
	[tilespmem:v38+s19+$0x0] =	vst.idx.msk $0xffff, v37;
	v11 =	vld [tilespmem:s13+$0xFFFFFFD0]  }
0xde: {  	v45 =	vadd.s32 v1, v20;
	[tilespmem:v41+s19+$0x0] =	vst.idx.msk $0xffff, v40;
	v9 =	vld [tilespmem:s13+$0x10]  }
0xdf: {  	v8 =	vadd.s32 v3, v8;
	v42 =	vld [tilespmem:s0+$0x70];
	[tilespmem:v49+s19+$0x0] =	vst.idx.msk $0xffff, v48  }
0xe0: {  	v5 =	vadd.s32 v3, v5;
	v13 =	vld [tilespmem:s0+$0x30];
	[tilespmem:v43+s19+$0x0] =	vst.idx.msk $0xffff, v15  }
0xe1: {  	v52 =	vadd.s32 v2, v31;
	[tilespmem:v47+s19+$0x0] =	vst.idx.msk $0xffff, v46;
	v15 =	vld [tilespmem:s13+$0x60]  }
0xe2: {  	v57 =	vadd.s32 v2, v21;
	[tilespmem:v44+s19+$0x0] =	vst.idx.msk $0xffff, v11;
	v56 =	vld [tilespmem:s13+$0xFFFFFFA0]  }
0xe3: {  	v53 =	vadd.s32 v2, v19;
	[tilespmem:v45+s19+$0x0] =	vst.idx.msk $0xffff, v9;
	v11 =	vld [tilespmem:s13+$0xFFFFFFE0]  }
0xe4: {  	v55 =	vadd.s32 v2, v20;
	[tilespmem:v8+s19+$0x0] =	vst.idx.msk $0xffff, v42;
	v54 =	vld [tilespmem:s13+$0x20]  }
0xe5: {  	v4 =	vadd.s32 v3, v4;
	v58 =	vld [tilespmem:s0+$0xFFFFFFB0];
	[tilespmem:v5+s19+$0x0] =	vst.idx.msk $0xffff, v13  }
0xe6: {  	v51 =	vadd.s32 v3, v7;
	v50 =	vld [tilespmem:s0+$0xFFFFFFF0];
	[tilespmem:v52+s19+$0x0] =	vst.idx.msk $0xffff, v15  }
0xe7: {  	v60 =	vadd.s32 v3, v31;
	[tilespmem:v57+s19+$0x0] =	vst.idx.msk $0xffff, v56;
	v59 =	vld [tilespmem:s13+$0x70]  }
0xe8: {  	v63 =	vadd.s32 v3, v21;
	[tilespmem:v53+s19+$0x0] =	vst.idx.msk $0xffff, v11;
	v5 =	vld [tilespmem:s13+$0xFFFFFFB0]  }
0xe9: {  	v61 =	vadd.s32 v3, v19;
	[tilespmem:v55+s19+$0x0] =	vst.idx.msk $0xffff, v54;
	v11 =	vld [tilespmem:s13+$0xFFFFFFF0]  }
0xea: {  	v62 =	vadd.s32 v3, v20;
	[tilespmem:v4+s19+$0x0] =	vst.idx.msk $0xffff, v58;
	v6 =	vld [tilespmem:s13+$0x30]  }
0xeb: {  	[tilespmem:v51+s19+$0x0] =	vst.idx.msk $0xffff, v50  }
0xec: {  	[tilespmem:v60+s19+$0x0] =	vst.idx.msk $0xffff, v59  }
0xed: {  	s1 =	sadd.s32 s1, s6;
	[tilespmem:v63+s19+$0x0] =	vst.idx.msk $0xffff, v5  }
0xee: {  	s10 =	simm.s32 @!p1 $0x80;
	s12 =	sadd.s32 $0x1, s1;
	[tilespmem:v61+s19+$0x0] =	vst.idx.msk $0xffff, v11  }
0xef: {  	s11 =	simm.s32 @!p1 $0x8400;
	s0 =	sadd.s32 @!p1 $0x280, s31;
	s13 =	sshll.u32 s12, $0x7;
	[tilespmem:v62+s19+$0x0] =	vst.idx.msk $0xffff, v6  }
0xf0: {  	[tilespmem:s11], [sflag:$0x2] =	stream.indirect.gather @!p1 [hbm4b:s4+s10], $0x40, s0, s10, $0xb8;
	[tilespmem:$0x16C00] =	vst v63  }
0xf1: {  	s0 =	sshll.u32 s12, $0xA;
	s10 =	sand.u32 $0xE80, s13  }
0xf2: {  	s0 =	sand.u32 $0xFFF8000, s0;
	s10 =	sadd.s32 s2, s10  }
0xf3: {  	s14 =	simm.s32 $0x10600;
	s10 =	sadd.s32 s0, s10  }
0xf4: {  	[hbm4b:s10+s3] =	stream.linear.scatter [tilespmem:s14], [sflag:$0x6], $0x80, $0x38;
	[tilespmem:$0x16C00] =	vst v63  }
0xf5: {  	s11 =	simm.s32 $0x10688;
	s12 =	sadd.s32 $0x10, s10  }
0xf6: {  	[hbm4b:s12+s3] =	stream.linear.scatter [tilespmem:s11], [sflag:$0x6], $0x80, $0x38;
	[tilespmem:$0x16C00] =	vst v63  }
0xf7: {  	s13 =	simm.s32 $0x10710;
	s14 =	sadd.s32 $0x20, s10  }
0xf8: {  	[hbm4b:s14+s3] =	stream.linear.scatter [tilespmem:s13], [sflag:$0x6], $0x80, $0x38;
	[tilespmem:$0x16C00] =	vst v63  }
0xf9: {  	s11 =	simm.s32 $0x10798;
	s12 =	sadd.s32 $0x30, s10  }
0xfa: {  	[hbm4b:s12+s3] =	stream.linear.scatter [tilespmem:s11], [sflag:$0x6], $0x80, $0x38;
	[tilespmem:$0x16C00] =	vst v63  }
0xfb: {  	s13 =	simm.s32 $0x10820;
	s14 =	sadd.s32 $0x40, s10  }
0xfc: {  	[hbm4b:s14+s3] =	stream.linear.scatter [tilespmem:s13], [sflag:$0x6], $0x80, $0x38;
	[tilespmem:$0x16C00] =	vst v63  }
0xfd: {  	s0 =	simm.s32 $0x440;
	s11 =	simm.s32 $0x108A8;
	s12 =	sadd.s32 $0x50, s10  }
0xfe: {  	[hbm4b:s12+s3] =	stream.linear.scatter [tilespmem:s11], [sflag:$0x6], $0x80, $0x38;
	[tilespmem:$0x16C00] =	vst v63  }
0xff: {  	s13 =	simm.s32 $0x10930;
	s14 =	sadd.s32 $0x60, s10;
	s11 =	simm.s32 $0x2200  }
0x100: {  	[hbm4b:s14+s3] =	stream.linear.scatter [tilespmem:s13], [sflag:$0x6], $0x80, $0x38;
	[tilespmem:$0x16C00] =	vst v63  }
0x101: {  	s12 =	simm.s32 $0x109B8;
	s13 =	sadd.s32 $0x70, s10;
	s10 =	sadd.s32 $0x1000, s10  }
.LBB2_9:
0x102: {  	[hbm4b:s13+s3] =	stream.linear.scatter [tilespmem:s12], [sflag:$0x6], $0x80, $0x38;
	[tilespmem:$0x16C00] =	vst v63  }
0x103: {  	s12 =	smov.u32 s0;
	s0 =	smov.u32 s11  }
0x104: {  	s14 =	sadd.s32 $0x1100, s11;
	s0 =	sshra.s32 s0, $0x2;
	s13 =	sadd.s32 $0x10600, s12  }
0x105: {  	[hbm4b:s10+s3] =	stream.linear.scatter [tilespmem:s13], [sflag:$0x6], $0x80, $0x38;
	[tilespmem:$0x16C00] =	vst v63  }
0x106: {  	p2 =	sne.s32 s11, $0x7700;
	s11 =	sadd.s32 $0x10688, s12;
	s13 =	sadd.s32 $0x10, s10  }
0x107: {  	[hbm4b:s13+s3] =	stream.linear.scatter [tilespmem:s11], [sflag:$0x6], $0x80, $0x38;
	[tilespmem:$0x16C00] =	vst v63  }
0x108: {  	s11 =	sadd.s32 $0x10710, s12;
	s13 =	sadd.s32 $0x20, s10  }
0x109: {  	[hbm4b:s13+s3] =	stream.linear.scatter [tilespmem:s11], [sflag:$0x6], $0x80, $0x38;
	[tilespmem:$0x16C00] =	vst v63  }
0x10a: {  	s11 =	sadd.s32 $0x10798, s12;
	s13 =	sadd.s32 $0x30, s10  }
0x10b: {  	[hbm4b:s13+s3] =	stream.linear.scatter [tilespmem:s11], [sflag:$0x6], $0x80, $0x38;
	[tilespmem:$0x16C00] =	vst v63  }
0x10c: {  	s11 =	sadd.s32 $0x10820, s12;
	s13 =	sadd.s32 $0x40, s10  }
0x10d: {  	[hbm4b:s13+s3] =	stream.linear.scatter [tilespmem:s11], [sflag:$0x6], $0x80, $0x38;
	[tilespmem:$0x16C00] =	vst v63  }
.Ltmp3:
0x10e: {  	s11 =	sadd.s32 $0x108A8, s12;
	s13 =	sadd.s32 $0x50, s10;
	(pc) =	sbr.rel @p2 .LBB2_9-.Ltmp3, $4  }
0x10f: {  	[hbm4b:s13+s3] =	stream.linear.scatter [tilespmem:s11], [sflag:$0x6], $0x80, $0x38;
	[tilespmem:$0x16C00] =	vst v63  }
0x110: {  	s11 =	sadd.s32 $0x10930, s12;
	s13 =	sadd.s32 $0x60, s10;
	s12 =	sadd.s32 $0x109B8, s12  }
0x111: {  	[hbm4b:s13+s3] =	stream.linear.scatter [tilespmem:s11], [sflag:$0x6], $0x80, $0x38;
	[tilespmem:$0x16C00] =	vst v63  }
0x112: {  	s13 =	sadd.s32 $0x70, s10;
	s10 =	sadd.s32 $0x1000, s10;
	s11 =	smov.u32 s14  }
0x113: {  	[hbm4b:s13+s3] =	stream.linear.scatter [tilespmem:s12], [sflag:$0x6], $0x80, $0x38;
	[tilespmem:$0x16C00] =	vst v63  }
0x114: {  	s11 =	sadd.s32 $0x10600, s0  }
0x115: {  	[hbm4b:s10+s3] =	stream.linear.scatter [tilespmem:s11], [sflag:$0x6], $0x80, $0x38;
	[tilespmem:$0x16C00] =	vst v63  }
0x116: {  	s13 =	sadd.s32 $0x10688, s0;
	s14 =	sadd.s32 $0x10, s10  }
0x117: {  	[hbm4b:s14+s3] =	stream.linear.scatter [tilespmem:s13], [sflag:$0x6], $0x80, $0x38;
	[tilespmem:$0x16C00] =	vst v63  }
0x118: {  	s13 =	sadd.s32 $0x10710, s0;
	s14 =	sadd.s32 $0x20, s10  }
0x119: {  	[hbm4b:s14+s3] =	stream.linear.scatter [tilespmem:s13], [sflag:$0x6], $0x80, $0x38;
	[tilespmem:$0x16C00] =	vst v63  }
0x11a: {  	s13 =	sadd.s32 $0x10798, s0;
	s14 =	sadd.s32 $0x30, s10  }
0x11b: {  	[hbm4b:s14+s3] =	stream.linear.scatter [tilespmem:s13], [sflag:$0x6], $0x80, $0x38;
	[tilespmem:$0x16C00] =	vst v63  }
0x11c: {  	s13 =	sadd.s32 $0x10820, s0;
	s14 =	sadd.s32 $0x40, s10  }
0x11d: {  	[hbm4b:s14+s3] =	stream.linear.scatter [tilespmem:s13], [sflag:$0x6], $0x80, $0x38;
	[tilespmem:$0x16C00] =	vst v63  }
0x11e: {  	s13 =	sadd.s32 $0x108A8, s0;
	s14 =	sadd.s32 $0x50, s10  }
0x11f: {  	[hbm4b:s14+s3] =	stream.linear.scatter [tilespmem:s13], [sflag:$0x6], $0x80, $0x38;
	[tilespmem:$0x16C00] =	vst v63  }
0x120: {  	s13 =	sadd.s32 $0x10930, s0;
	s14 =	sadd.s32 $0x60, s10  }
0x121: {  	[hbm4b:s14+s3] =	stream.linear.scatter [tilespmem:s13], [sflag:$0x6], $0x80, $0x38;
	[tilespmem:$0x16C00] =	vst v63  }
0x122: {  	s13 =	sadd.s32 $0x109B8, s0;
	s14 =	sadd.s32 $0x70, s10  }
0x123: {  	[hbm4b:s14+s3] =	stream.linear.scatter [tilespmem:s13], [sflag:$0x6], $0x80, $0x38;
	[tilespmem:$0x16C00] =	vst v63  }
0x124: {  	_ =	swait.ge [sflag:s20], $0x2000  }
0x125: {  	[sflag:s20] =	ssyncset.done $0x0  }
0x126: {  	s0 =	simm.s32 @!p0 $0x7;
	[sflag:s20] =	ssyncadd.s32 $0xFFFFE000  }
0x127: {  	s11 =	simm.s32 $0x3;
	_ =	swait.ge @!p0 [sflag:s0], $0x2000  }
0x128: {  	s12 =	simm.s32 $0x0;
	v4 =	vmov s11;
	[sflag:s0] =	ssyncset.done @!p0 $0x0  }
0x129: {  	v5 =	vand.u32 $0x7F, v4;
	v4 =	vmov s12;
	s10 =	simm.s32 $0xA480;
	s13 =	simm.s32 $0x1;
	[sflag:s0] =	ssyncadd.s32 @!p0 $0xFFFFE000  }
0x12a: {  	v8 =	vadd.s32 v0, v5;
	v6 =	vand.u32 $0x7C, v4;
	v4 =	vmov s13;
	v7 =	vld [tilespmem:s10+$0x40]  }
0x12b: {  	v10 =	vadd.s32 v0, v6;
	v11 =	vand.u32 $0x7D, v4;
	v9 =	vld [tilespmem:s10+$0xFFFFFF80]  }
0x12c: {  	s14 =	simm.s32 $0x2;
	v12 =	vadd.s32 v0, v11;
	v4 =	vld [tilespmem:s10+$0xFFFFFFC0]  }
0x12d: {  	v13 =	vmov s14  }
0x12e: {  	v13 =	vand.u32 $0x7E, v13  }
0x12f: {  	v15 =	vadd.s32 v0, v13;
	v14 =	vld [tilespmem:s10+$0x0];
	[tilespmem:v8+s21+$0x0] =	vst.idx.msk $0xffff, v7  }
0x130: {  	v8 =	vadd.s32 v1, v5;
	[tilespmem:v10+s21+$0x0] =	vst.idx.msk $0xffff, v9;
	v7 =	vld [tilespmem:s10+$0x50]  }
0x131: {  	v10 =	vadd.s32 v1, v6;
	[tilespmem:v12+s21+$0x0] =	vst.idx.msk $0xffff, v4;
	v9 =	vld [tilespmem:s10+$0xFFFFFF90]  }
0x132: {  	v12 =	vadd.s32 v1, v11;
	v4 =	vld [tilespmem:s10+$0xFFFFFFD0];
	_ =	sdelay $0x1  }
0x133: {  	[tilespmem:v15+s21+$0x0] =	vst.idx.msk $0xffff, v14  }
0x134: {  	v16 =	vadd.s32 v1, v13;
	v15 =	vld [tilespmem:s10+$0x10];
	[tilespmem:v8+s21+$0x0] =	vst.idx.msk $0xffff, v7  }
0x135: {  	s11 =	simm.s32 $0x7;
	v14 =	vadd.s32 v2, v5;
	[tilespmem:v10+s21+$0x0] =	vst.idx.msk $0xffff, v9;
	v7 =	vld [tilespmem:s10+$0x60]  }
0x136: {  	v10 =	vadd.s32 v2, v6;
	v8 =	vmov s11;
	[tilespmem:v12+s21+$0x0] =	vst.idx.msk $0xffff, v4;
	v9 =	vld [tilespmem:s10+$0xFFFFFFA0]  }
0x137: {  	v17 =	vadd.s32 v2, v11;
	s0 =	simm.s32 $0xA580;
	v8 =	vand.u32 $0x7F, v8;
	v12 =	vld [tilespmem:s10+$0xFFFFFFE0]  }
0x138: {  	s12 =	simm.s32 $0x4;
	v18 =	vld [tilespmem:s0+$0x40];
	v19 =	vadd.s32 v0, v8  }
0x139: {  	s13 =	simm.s32 $0x5;
	v4 =	vmov s12;
	[tilespmem:v16+s21+$0x0] =	vst.idx.msk $0xffff, v15  }
0x13a: {  	v22 =	vmov s13;
	v4 =	vand.u32 $0x7C, v4;
	[tilespmem:v14+s21+$0x0] =	vst.idx.msk $0xffff, v7  }
0x13b: {  	s14 =	simm.s32 $0x6;
	v20 =	vld [tilespmem:s0+$0xFFFFFF80];
	v21 =	vadd.s32 v0, v4;
	v7 =	vand.u32 $0x7D, v22;
	[tilespmem:v10+s21+$0x0] =	vst.idx.msk $0xffff, v9  }
0x13c: {  	v14 =	vmov s14;
	v9 =	vld [tilespmem:s0+$0xFFFFFFC0];
	[tilespmem:v17+s21+$0x0] =	vst.idx.msk $0xffff, v12;
	v10 =	vadd.s32 v0, v7  }
0x13d: {  	v16 =	vadd.s32 v3, v5;
	v12 =	vld [tilespmem:s10+$0x20];
	v5 =	vand.u32 $0x7E, v14;
	[tilespmem:v19+s21+$0x0] =	vst.idx.msk $0xffff, v18;
	v18 =	vadd.s32 v2, v13  }
0x13e: {  	v14 =	vld [tilespmem:s0+$0x0];
	v63 =	vadd.s32 v0, v5  }
0x13f: {  	v15 =	vld [tilespmem:s10+$0x70]  }
0x140: {  	[tilespmem:v21+s21+$0x0] =	vst.idx.msk $0xffff, v20;
	v20 =	vadd.s32 v1, v8;
	v19 =	vld [tilespmem:s0+$0x50]  }
0x141: {  	v23 =	vadd.s32 v1, v4;
	v21 =	vld [tilespmem:s0+$0xFFFFFF90];
	[tilespmem:v10+s21+$0x0] =	vst.idx.msk $0xffff, v9  }
0x142: {  	v25 =	vadd.s32 v3, v11;
	v24 =	vld [tilespmem:s10+$0xFFFFFFF0];
	[tilespmem:v18+s21+$0x0] =	vst.idx.msk $0xffff, v12  }
0x143: {  	v18 =	vadd.s32 v1, v7;
	v17 =	vld [tilespmem:s0+$0xFFFFFFD0];
	[tilespmem:v63+s21+$0x0] =	vst.idx.msk $0xffff, v14  }
0x144: {  	[tilespmem:v16+s21+$0x0] =	vst.idx.msk $0xffff, v15;
	v16 =	vadd.s32 v1, v5;
	v15 =	vld [tilespmem:s0+$0x10]  }
0x145: {  	[tilespmem:v20+s21+$0x0] =	vst.idx.msk $0xffff, v19;
	v11 =	vld [tilespmem:s10+$0x30];
	v14 =	vadd.s32 v3, v13  }
0x146: {  	v12 =	vadd.s32 v2, v8;
	[tilespmem:v23+s21+$0x0] =	vst.idx.msk $0xffff, v21;
	v9 =	vld [tilespmem:s0+$0x60]  }
0x147: {  	s13 =	simm.s32 $0xB;
	s11 =	simm.s32 $0x8;
	s12 =	simm.s32 $0xC;
	[tilespmem:v25+s21+$0x0] =	vst.idx.msk $0xffff, v24;
	v13 =	vadd.s32 v2, v4;
	v10 =	vld [tilespmem:s0+$0xFFFFFFA0]  }
.LBB2_11:
0x148: {  	p2 =	slt.u32 s12, $0x7C;
	v19 =	vmov s13;
	[tilespmem:v18+s21+$0x0] =	vst.idx.msk $0xffff, v17;
	v17 =	vld [tilespmem:s10+$0xFFFFFFB0];
	v18 =	vadd.s32 v3, v6;
	v6 =	vmov v4;
	s10 =	smov.u32 s0  }
0x149: {  	v4 =	vmov s11;
	v21 =	vadd.s32 v2, v7;
	s0 =	sadd.s32 $0x100, s0;
	v19 =	vand.u32 $0x7F, v19;
	v20 =	vld [tilespmem:s10+$0xFFFFFFE0];
	[tilespmem:v16+s21+$0x0] =	vst.idx.msk $0xffff, v15  }
0x14a: {  	s13 =	sadd.s32 $0x1, s11;
	v4 =	vand.u32 $0x7C, v4;
	v15 =	vld [tilespmem:s0+$0x40];
	v16 =	vadd.s32 v0, v19;
	[tilespmem:v14+s21+$0x0] =	vst.idx.msk $0xffff, v11  }
0x14b: {  	v22 =	vmov s13;
	s13 =	sadd.s32 $0x2, s11;
	s11 =	smov.u32 s12;
	v14 =	vadd.s32 v0, v4;
	v11 =	vld [tilespmem:s0+$0xFFFFFF80];
	[tilespmem:v12+s21+$0x0] =	vst.idx.msk $0xffff, v9  }
0x14c: {  	v9 =	vand.u32 $0x7D, v22;
	v12 =	vmov s13;
	[tilespmem:v13+s21+$0x0] =	vst.idx.msk $0xffff, v10;
	v10 =	vld [tilespmem:s10+$0x70];
	v13 =	vadd.s32 v3, v8;
	v8 =	vmovc v19  }
0x14d: {  	v22 =	vadd.s32 v0, v9;
	v12 =	vand.u32 $0x7E, v12;
	v19 =	vld [tilespmem:s0+$0xFFFFFFC0];
	[tilespmem:v18+s21+$0x0] =	vst.idx.msk $0xffff, v17  }
0x14e: {  	v24 =	vadd.s32 v0, v12;
	v23 =	vld [tilespmem:s0+$0x0];
	[tilespmem:v21+s21+$0x0] =	vst.idx.msk $0xffff, v20  }
0x14f: {  	v21 =	vadd.s32 v2, v5;
	[tilespmem:v16+s21+$0x0] =	vst.idx.msk $0xffff, v15;
	v20 =	vld [tilespmem:s10+$0x20]  }
0x150: {  	[tilespmem:v14+s21+$0x0] =	vst.idx.msk $0xffff, v11;
	v11 =	vld [tilespmem:s0+$0x50];
	v14 =	vadd.s32 v1, v8  }
0x151: {  	v26 =	vadd.s32 v1, v4;
	v25 =	vld [tilespmem:s0+$0xFFFFFF90];
	[tilespmem:v13+s21+$0x0] =	vst.idx.msk $0xffff, v10  }
0x152: {  	[tilespmem:v22+s21+$0x0] =	vst.idx.msk $0xffff, v19;
	v19 =	vld [tilespmem:s10+$0xFFFFFFF0];
	v22 =	vadd.s32 v3, v7;
	v7 =	vmov v9  }
.Ltmp4:
0x153: {  	v17 =	vld [tilespmem:s0+$0xFFFFFFD0];
	v18 =	vadd.s32 v1, v7;
	[tilespmem:v24+s21+$0x0] =	vst.idx.msk $0xffff, v23;
	(pc) =	sbr.rel @p2 .LBB2_11-.Ltmp4, $4  }
0x154: {  	v16 =	vadd.s32 v1, v12;
	v15 =	vld [tilespmem:s0+$0x10];
	[tilespmem:v21+s21+$0x0] =	vst.idx.msk $0xffff, v20  }
0x155: {  	[tilespmem:v14+s21+$0x0] =	vst.idx.msk $0xffff, v11;
	v11 =	vld [tilespmem:s10+$0x30];
	v14 =	vadd.s32 v3, v5;
	v5 =	vmov v12  }
0x156: {  	v12 =	vadd.s32 v2, v8;
	[tilespmem:v26+s21+$0x0] =	vst.idx.msk $0xffff, v25;
	v9 =	vld [tilespmem:s0+$0x60]  }
0x157: {  	s12 =	sadd.s32 $0x4, s12;
	s13 =	sadd.s32 $0x3, s11;
	v13 =	vadd.s32 v2, v4;
	v10 =	vld [tilespmem:s0+$0xFFFFFFA0];
	[tilespmem:v22+s21+$0x0] =	vst.idx.msk $0xffff, v19  }
0x158: {  	_ =	sdelay $0x2  }
0x159: {  	v19 =	vmov s13  }
0x15a: {  	s12 =	sadd.s32 $0x1, s11;
	[tilespmem:v18+s21+$0x0] =	vst.idx.msk $0xffff, v17;
	v30 =	vld [tilespmem:s10+$0xFFFFFFB0];
	v6 =	vadd.s32 v3, v6;
	s13 =	sadd.s32 $0x100, s0;
	v21 =	vmov s11;
	v31 =	vand.u32 $0x7F, v19  }
0x15b: {  	s14 =	sadd.s32 $0x2, s11;
	v32 =	vmov s12;
	[tilespmem:v16+s21+$0x0] =	vst.idx.msk $0xffff, v15;
	v33 =	vld [tilespmem:s13+$0x40];
	v21 =	vand.u32 $0x7C, v21;
	v34 =	vadd.s32 v0, v31  }
0x15c: {  	v20 =	vmov s14;
	v22 =	vld [tilespmem:s13+$0xFFFFFF80];
	v19 =	vand.u32 $0x7D, v32;
	[tilespmem:v14+s21+$0x0] =	vst.idx.msk $0xffff, v11;
	v39 =	vadd.s32 v0, v21  }
0x15d: {  	v35 =	vld [tilespmem:s13+$0xFFFFFFC0];
	v20 =	vand.u32 $0x7E, v20;
	v36 =	vadd.s32 v0, v19;
	[tilespmem:v12+s21+$0x0] =	vst.idx.msk $0xffff, v9  }
0x15e: {  	v37 =	vld [tilespmem:s13+$0x0];
	v38 =	vadd.s32 v0, v20;
	[tilespmem:v13+s21+$0x0] =	vst.idx.msk $0xffff, v10  }
0x15f: {  	v41 =	vadd.s32 v2, v7;
	v40 =	vld [tilespmem:s0+$0xFFFFFFE0];
	[tilespmem:v6+s21+$0x0] =	vst.idx.msk $0xffff, v30  }
0x160: {  	v49 =	vadd.s32 v2, v5;
	v48 =	vld [tilespmem:s0+$0x20];
	[tilespmem:v34+s21+$0x0] =	vst.idx.msk $0xffff, v33  }
0x161: {  	v43 =	vadd.s32 v1, v31;
	[tilespmem:v39+s21+$0x0] =	vst.idx.msk $0xffff, v22;
	v15 =	vld [tilespmem:s13+$0x50]  }
0x162: {  	v47 =	vadd.s32 v1, v21;
	[tilespmem:v36+s21+$0x0] =	vst.idx.msk $0xffff, v35;
	v46 =	vld [tilespmem:s13+$0xFFFFFF90]  }
0x163: {  	v44 =	vadd.s32 v1, v19;
	[tilespmem:v38+s21+$0x0] =	vst.idx.msk $0xffff, v37;
	v11 =	vld [tilespmem:s13+$0xFFFFFFD0]  }
0x164: {  	v45 =	vadd.s32 v1, v20;
	[tilespmem:v41+s21+$0x0] =	vst.idx.msk $0xffff, v40;
	v9 =	vld [tilespmem:s13+$0x10]  }
0x165: {  	v8 =	vadd.s32 v3, v8;
	v42 =	vld [tilespmem:s0+$0x70];
	[tilespmem:v49+s21+$0x0] =	vst.idx.msk $0xffff, v48  }
0x166: {  	v5 =	vadd.s32 v3, v5;
	v13 =	vld [tilespmem:s0+$0x30];
	[tilespmem:v43+s21+$0x0] =	vst.idx.msk $0xffff, v15  }
0x167: {  	v52 =	vadd.s32 v2, v31;
	[tilespmem:v47+s21+$0x0] =	vst.idx.msk $0xffff, v46;
	v15 =	vld [tilespmem:s13+$0x60]  }
0x168: {  	v57 =	vadd.s32 v2, v21;
	[tilespmem:v44+s21+$0x0] =	vst.idx.msk $0xffff, v11;
	v56 =	vld [tilespmem:s13+$0xFFFFFFA0]  }
0x169: {  	v53 =	vadd.s32 v2, v19;
	[tilespmem:v45+s21+$0x0] =	vst.idx.msk $0xffff, v9;
	v11 =	vld [tilespmem:s13+$0xFFFFFFE0]  }
0x16a: {  	v55 =	vadd.s32 v2, v20;
	[tilespmem:v8+s21+$0x0] =	vst.idx.msk $0xffff, v42;
	v54 =	vld [tilespmem:s13+$0x20]  }
0x16b: {  	v4 =	vadd.s32 v3, v4;
	v58 =	vld [tilespmem:s0+$0xFFFFFFB0];
	[tilespmem:v5+s21+$0x0] =	vst.idx.msk $0xffff, v13  }
0x16c: {  	v51 =	vadd.s32 v3, v7;
	v50 =	vld [tilespmem:s0+$0xFFFFFFF0];
	[tilespmem:v52+s21+$0x0] =	vst.idx.msk $0xffff, v15  }
0x16d: {  	v60 =	vadd.s32 v3, v31;
	[tilespmem:v57+s21+$0x0] =	vst.idx.msk $0xffff, v56;
	v59 =	vld [tilespmem:s13+$0x70]  }
0x16e: {  	v63 =	vadd.s32 v3, v21;
	[tilespmem:v53+s21+$0x0] =	vst.idx.msk $0xffff, v11;
	v5 =	vld [tilespmem:s13+$0xFFFFFFB0]  }
0x16f: {  	v61 =	vadd.s32 v3, v19;
	[tilespmem:v55+s21+$0x0] =	vst.idx.msk $0xffff, v54;
	v11 =	vld [tilespmem:s13+$0xFFFFFFF0]  }
0x170: {  	v62 =	vadd.s32 v3, v20;
	[tilespmem:v4+s21+$0x0] =	vst.idx.msk $0xffff, v58;
	v6 =	vld [tilespmem:s13+$0x30]  }
0x171: {  	[tilespmem:v51+s21+$0x0] =	vst.idx.msk $0xffff, v50  }
0x172: {  	[tilespmem:v60+s21+$0x0] =	vst.idx.msk $0xffff, v59  }
0x173: {  	[tilespmem:v63+s21+$0x0] =	vst.idx.msk $0xffff, v5  }
0x174: {  	s10 =	simm.s32 @!p1 $0x80;
	s12 =	sadd.s32 $0x2, s1;
	[tilespmem:v61+s21+$0x0] =	vst.idx.msk $0xffff, v11  }
0x175: {  	s11 =	simm.s32 @!p1 $0xA400;
	s0 =	sadd.s32 @!p1 $0x300, s31;
	s13 =	sshll.u32 s12, $0x7;
	[tilespmem:v62+s21+$0x0] =	vst.idx.msk $0xffff, v6  }
0x176: {  	[tilespmem:s11], [sflag:$0x3] =	stream.indirect.gather @!p1 [hbm4b:s4+s10], $0x40, s0, s10, $0xb8;
	[tilespmem:$0x16C00] =	vst v63  }
0x177: {  	s0 =	sshll.u32 s12, $0xA;
	s10 =	sand.u32 $0xF00, s13  }
0x178: {  	s0 =	sand.u32 $0xFFF8000, s0;
	s10 =	sadd.s32 s2, s10  }
0x179: {  	s14 =	simm.s32 $0x12800;
	s10 =	sadd.s32 s0, s10  }
0x17a: {  	[hbm4b:s10+s3] =	stream.linear.scatter [tilespmem:s14], [sflag:$0x7], $0x80, $0x38;
	[tilespmem:$0x16C00] =	vst v63  }
0x17b: {  	s11 =	simm.s32 $0x12888;
	s12 =	sadd.s32 $0x10, s10  }
0x17c: {  	[hbm4b:s12+s3] =	stream.linear.scatter [tilespmem:s11], [sflag:$0x7], $0x80, $0x38;
	[tilespmem:$0x16C00] =	vst v63  }
0x17d: {  	s13 =	simm.s32 $0x12910;
	s14 =	sadd.s32 $0x20, s10  }
0x17e: {  	[hbm4b:s14+s3] =	stream.linear.scatter [tilespmem:s13], [sflag:$0x7], $0x80, $0x38;
	[tilespmem:$0x16C00] =	vst v63  }
0x17f: {  	s11 =	simm.s32 $0x12998;
	s12 =	sadd.s32 $0x30, s10  }
0x180: {  	[hbm4b:s12+s3] =	stream.linear.scatter [tilespmem:s11], [sflag:$0x7], $0x80, $0x38;
	[tilespmem:$0x16C00] =	vst v63  }
0x181: {  	s13 =	simm.s32 $0x12A20;
	s14 =	sadd.s32 $0x40, s10  }
0x182: {  	[hbm4b:s14+s3] =	stream.linear.scatter [tilespmem:s13], [sflag:$0x7], $0x80, $0x38;
	[tilespmem:$0x16C00] =	vst v63  }
0x183: {  	s0 =	simm.s32 $0x440;
	s11 =	simm.s32 $0x12AA8;
	s12 =	sadd.s32 $0x50, s10  }
0x184: {  	[hbm4b:s12+s3] =	stream.linear.scatter [tilespmem:s11], [sflag:$0x7], $0x80, $0x38;
	[tilespmem:$0x16C00] =	vst v63  }
0x185: {  	s13 =	simm.s32 $0x12B30;
	s14 =	sadd.s32 $0x60, s10;
	s11 =	simm.s32 $0x2200  }
0x186: {  	[hbm4b:s14+s3] =	stream.linear.scatter [tilespmem:s13], [sflag:$0x7], $0x80, $0x38;
	[tilespmem:$0x16C00] =	vst v63  }
0x187: {  	s12 =	simm.s32 $0x12BB8;
	s13 =	sadd.s32 $0x70, s10;
	s10 =	sadd.s32 $0x1000, s10  }
.LBB2_13:
0x188: {  	[hbm4b:s13+s3] =	stream.linear.scatter [tilespmem:s12], [sflag:$0x7], $0x80, $0x38;
	[tilespmem:$0x16C00] =	vst v63  }
0x189: {  	s12 =	smov.u32 s0;
	s0 =	smov.u32 s11  }
0x18a: {  	s14 =	sadd.s32 $0x1100, s11;
	s0 =	sshra.s32 s0, $0x2;
	s13 =	sadd.s32 $0x12800, s12  }
0x18b: {  	[hbm4b:s10+s3] =	stream.linear.scatter [tilespmem:s13], [sflag:$0x7], $0x80, $0x38;
	[tilespmem:$0x16C00] =	vst v63  }
0x18c: {  	p2 =	sne.s32 s11, $0x7700;
	s11 =	sadd.s32 $0x12888, s12;
	s13 =	sadd.s32 $0x10, s10  }
0x18d: {  	[hbm4b:s13+s3] =	stream.linear.scatter [tilespmem:s11], [sflag:$0x7], $0x80, $0x38;
	[tilespmem:$0x16C00] =	vst v63  }
0x18e: {  	s11 =	sadd.s32 $0x12910, s12;
	s13 =	sadd.s32 $0x20, s10  }
0x18f: {  	[hbm4b:s13+s3] =	stream.linear.scatter [tilespmem:s11], [sflag:$0x7], $0x80, $0x38;
	[tilespmem:$0x16C00] =	vst v63  }
0x190: {  	s11 =	sadd.s32 $0x12998, s12;
	s13 =	sadd.s32 $0x30, s10  }
0x191: {  	[hbm4b:s13+s3] =	stream.linear.scatter [tilespmem:s11], [sflag:$0x7], $0x80, $0x38;
	[tilespmem:$0x16C00] =	vst v63  }
0x192: {  	s11 =	sadd.s32 $0x12A20, s12;
	s13 =	sadd.s32 $0x40, s10  }
0x193: {  	[hbm4b:s13+s3] =	stream.linear.scatter [tilespmem:s11], [sflag:$0x7], $0x80, $0x38;
	[tilespmem:$0x16C00] =	vst v63  }
.Ltmp5:
0x194: {  	s11 =	sadd.s32 $0x12AA8, s12;
	s13 =	sadd.s32 $0x50, s10;
	(pc) =	sbr.rel @p2 .LBB2_13-.Ltmp5, $4  }
0x195: {  	[hbm4b:s13+s3] =	stream.linear.scatter [tilespmem:s11], [sflag:$0x7], $0x80, $0x38;
	[tilespmem:$0x16C00] =	vst v63  }
0x196: {  	s11 =	sadd.s32 $0x12B30, s12;
	s13 =	sadd.s32 $0x60, s10;
	s12 =	sadd.s32 $0x12BB8, s12  }
0x197: {  	[hbm4b:s13+s3] =	stream.linear.scatter [tilespmem:s11], [sflag:$0x7], $0x80, $0x38;
	[tilespmem:$0x16C00] =	vst v63  }
0x198: {  	s13 =	sadd.s32 $0x70, s10;
	s10 =	sadd.s32 $0x1000, s10;
	s11 =	smov.u32 s14  }
0x199: {  	[hbm4b:s13+s3] =	stream.linear.scatter [tilespmem:s12], [sflag:$0x7], $0x80, $0x38;
	[tilespmem:$0x16C00] =	vst v63  }
0x19a: {  	s11 =	sadd.s32 $0x12800, s0  }
0x19b: {  	[hbm4b:s10+s3] =	stream.linear.scatter [tilespmem:s11], [sflag:$0x7], $0x80, $0x38;
	[tilespmem:$0x16C00] =	vst v63  }
0x19c: {  	s13 =	sadd.s32 $0x12888, s0;
	s14 =	sadd.s32 $0x10, s10  }
0x19d: {  	[hbm4b:s14+s3] =	stream.linear.scatter [tilespmem:s13], [sflag:$0x7], $0x80, $0x38;
	[tilespmem:$0x16C00] =	vst v63  }
0x19e: {  	s13 =	sadd.s32 $0x12910, s0;
	s14 =	sadd.s32 $0x20, s10  }
0x19f: {  	[hbm4b:s14+s3] =	stream.linear.scatter [tilespmem:s13], [sflag:$0x7], $0x80, $0x38;
	[tilespmem:$0x16C00] =	vst v63  }
0x1a0: {  	s13 =	sadd.s32 $0x12998, s0;
	s14 =	sadd.s32 $0x30, s10  }
0x1a1: {  	[hbm4b:s14+s3] =	stream.linear.scatter [tilespmem:s13], [sflag:$0x7], $0x80, $0x38;
	[tilespmem:$0x16C00] =	vst v63  }
0x1a2: {  	s13 =	sadd.s32 $0x12A20, s0;
	s14 =	sadd.s32 $0x40, s10  }
0x1a3: {  	[hbm4b:s14+s3] =	stream.linear.scatter [tilespmem:s13], [sflag:$0x7], $0x80, $0x38;
	[tilespmem:$0x16C00] =	vst v63  }
0x1a4: {  	s13 =	sadd.s32 $0x12AA8, s0;
	s14 =	sadd.s32 $0x50, s10  }
0x1a5: {  	[hbm4b:s14+s3] =	stream.linear.scatter [tilespmem:s13], [sflag:$0x7], $0x80, $0x38;
	[tilespmem:$0x16C00] =	vst v63  }
0x1a6: {  	s13 =	sadd.s32 $0x12B30, s0;
	s14 =	sadd.s32 $0x60, s10  }
0x1a7: {  	[hbm4b:s14+s3] =	stream.linear.scatter [tilespmem:s13], [sflag:$0x7], $0x80, $0x38;
	[tilespmem:$0x16C00] =	vst v63  }
0x1a8: {  	s13 =	sadd.s32 $0x12BB8, s0;
	s14 =	sadd.s32 $0x70, s10  }
0x1a9: {  	[hbm4b:s14+s3] =	stream.linear.scatter [tilespmem:s13], [sflag:$0x7], $0x80, $0x38;
	[tilespmem:$0x16C00] =	vst v63  }
0x1aa: {  	_ =	swait.ge [sflag:s22], $0x2000  }
0x1ab: {  	[sflag:s22] =	ssyncset.done $0x0  }
0x1ac: {  	s0 =	simm.s32 @!p0 $0x8;
	[sflag:s22] =	ssyncadd.s32 $0xFFFFE000  }
0x1ad: {  	s11 =	simm.s32 $0x3;
	_ =	swait.ge @!p0 [sflag:s0], $0x2000  }
0x1ae: {  	s12 =	simm.s32 $0x0;
	v4 =	vmov s11;
	[sflag:s0] =	ssyncset.done @!p0 $0x0  }
0x1af: {  	v5 =	vand.u32 $0x7F, v4;
	v4 =	vmov s12;
	s10 =	simm.s32 $0xC480;
	s13 =	simm.s32 $0x1;
	[sflag:s0] =	ssyncadd.s32 @!p0 $0xFFFFE000  }
0x1b0: {  	v8 =	vadd.s32 v0, v5;
	v6 =	vand.u32 $0x7C, v4;
	v4 =	vmov s13;
	v7 =	vld [tilespmem:s10+$0x40]  }
0x1b1: {  	v10 =	vadd.s32 v0, v6;
	v11 =	vand.u32 $0x7D, v4;
	v9 =	vld [tilespmem:s10+$0xFFFFFF80]  }
0x1b2: {  	s14 =	simm.s32 $0x2;
	v12 =	vadd.s32 v0, v11;
	v4 =	vld [tilespmem:s10+$0xFFFFFFC0]  }
0x1b3: {  	v13 =	vmov s14  }
0x1b4: {  	v13 =	vand.u32 $0x7E, v13  }
0x1b5: {  	v15 =	vadd.s32 v0, v13;
	v14 =	vld [tilespmem:s10+$0x0];
	[tilespmem:v8+s23+$0x0] =	vst.idx.msk $0xffff, v7  }
0x1b6: {  	v8 =	vadd.s32 v1, v5;
	[tilespmem:v10+s23+$0x0] =	vst.idx.msk $0xffff, v9;
	v7 =	vld [tilespmem:s10+$0x50]  }
0x1b7: {  	v10 =	vadd.s32 v1, v6;
	[tilespmem:v12+s23+$0x0] =	vst.idx.msk $0xffff, v4;
	v9 =	vld [tilespmem:s10+$0xFFFFFF90]  }
0x1b8: {  	v12 =	vadd.s32 v1, v11;
	v4 =	vld [tilespmem:s10+$0xFFFFFFD0];
	_ =	sdelay $0x1  }
0x1b9: {  	[tilespmem:v15+s23+$0x0] =	vst.idx.msk $0xffff, v14  }
0x1ba: {  	v16 =	vadd.s32 v1, v13;
	v15 =	vld [tilespmem:s10+$0x10];
	[tilespmem:v8+s23+$0x0] =	vst.idx.msk $0xffff, v7  }
0x1bb: {  	s11 =	simm.s32 $0x7;
	v14 =	vadd.s32 v2, v5;
	[tilespmem:v10+s23+$0x0] =	vst.idx.msk $0xffff, v9;
	v7 =	vld [tilespmem:s10+$0x60]  }
0x1bc: {  	v10 =	vadd.s32 v2, v6;
	v8 =	vmov s11;
	[tilespmem:v12+s23+$0x0] =	vst.idx.msk $0xffff, v4;
	v9 =	vld [tilespmem:s10+$0xFFFFFFA0]  }
0x1bd: {  	v17 =	vadd.s32 v2, v11;
	s0 =	simm.s32 $0xC580;
	v8 =	vand.u32 $0x7F, v8;
	v12 =	vld [tilespmem:s10+$0xFFFFFFE0]  }
0x1be: {  	s12 =	simm.s32 $0x4;
	v18 =	vld [tilespmem:s0+$0x40];
	v19 =	vadd.s32 v0, v8  }
0x1bf: {  	s13 =	simm.s32 $0x5;
	v4 =	vmov s12;
	[tilespmem:v16+s23+$0x0] =	vst.idx.msk $0xffff, v15  }
0x1c0: {  	v22 =	vmov s13;
	v4 =	vand.u32 $0x7C, v4;
	[tilespmem:v14+s23+$0x0] =	vst.idx.msk $0xffff, v7  }
0x1c1: {  	s14 =	simm.s32 $0x6;
	v20 =	vld [tilespmem:s0+$0xFFFFFF80];
	v21 =	vadd.s32 v0, v4;
	v7 =	vand.u32 $0x7D, v22;
	[tilespmem:v10+s23+$0x0] =	vst.idx.msk $0xffff, v9  }
0x1c2: {  	v14 =	vmov s14;
	v9 =	vld [tilespmem:s0+$0xFFFFFFC0];
	[tilespmem:v17+s23+$0x0] =	vst.idx.msk $0xffff, v12;
	v10 =	vadd.s32 v0, v7  }
0x1c3: {  	v16 =	vadd.s32 v3, v5;
	v12 =	vld [tilespmem:s10+$0x20];
	v5 =	vand.u32 $0x7E, v14;
	[tilespmem:v19+s23+$0x0] =	vst.idx.msk $0xffff, v18;
	v18 =	vadd.s32 v2, v13  }
0x1c4: {  	v14 =	vld [tilespmem:s0+$0x0];
	v63 =	vadd.s32 v0, v5  }
0x1c5: {  	v15 =	vld [tilespmem:s10+$0x70]  }
0x1c6: {  	[tilespmem:v21+s23+$0x0] =	vst.idx.msk $0xffff, v20;
	v20 =	vadd.s32 v1, v8;
	v19 =	vld [tilespmem:s0+$0x50]  }
0x1c7: {  	v23 =	vadd.s32 v1, v4;
	v21 =	vld [tilespmem:s0+$0xFFFFFF90];
	[tilespmem:v10+s23+$0x0] =	vst.idx.msk $0xffff, v9  }
0x1c8: {  	v25 =	vadd.s32 v3, v11;
	v24 =	vld [tilespmem:s10+$0xFFFFFFF0];
	[tilespmem:v18+s23+$0x0] =	vst.idx.msk $0xffff, v12  }
0x1c9: {  	v18 =	vadd.s32 v1, v7;
	v17 =	vld [tilespmem:s0+$0xFFFFFFD0];
	[tilespmem:v63+s23+$0x0] =	vst.idx.msk $0xffff, v14  }
0x1ca: {  	[tilespmem:v16+s23+$0x0] =	vst.idx.msk $0xffff, v15;
	v16 =	vadd.s32 v1, v5;
	v15 =	vld [tilespmem:s0+$0x10]  }
0x1cb: {  	[tilespmem:v20+s23+$0x0] =	vst.idx.msk $0xffff, v19;
	v11 =	vld [tilespmem:s10+$0x30];
	v14 =	vadd.s32 v3, v13  }
0x1cc: {  	v12 =	vadd.s32 v2, v8;
	[tilespmem:v23+s23+$0x0] =	vst.idx.msk $0xffff, v21;
	v9 =	vld [tilespmem:s0+$0x60]  }
0x1cd: {  	s13 =	simm.s32 $0xB;
	s11 =	simm.s32 $0x8;
	s12 =	simm.s32 $0xC;
	[tilespmem:v25+s23+$0x0] =	vst.idx.msk $0xffff, v24;
	v13 =	vadd.s32 v2, v4;
	v10 =	vld [tilespmem:s0+$0xFFFFFFA0]  }
.LBB2_15:
0x1ce: {  	p0 =	slt.u32 s12, $0x7C;
	v19 =	vmov s13;
	[tilespmem:v18+s23+$0x0] =	vst.idx.msk $0xffff, v17;
	v17 =	vld [tilespmem:s10+$0xFFFFFFB0];
	v18 =	vadd.s32 v3, v6;
	v6 =	vmov v4;
	s10 =	smov.u32 s0  }
0x1cf: {  	v4 =	vmov s11;
	v21 =	vadd.s32 v2, v7;
	s0 =	sadd.s32 $0x100, s0;
	v19 =	vand.u32 $0x7F, v19;
	v20 =	vld [tilespmem:s10+$0xFFFFFFE0];
	[tilespmem:v16+s23+$0x0] =	vst.idx.msk $0xffff, v15  }
0x1d0: {  	s13 =	sadd.s32 $0x1, s11;
	v4 =	vand.u32 $0x7C, v4;
	v15 =	vld [tilespmem:s0+$0x40];
	v16 =	vadd.s32 v0, v19;
	[tilespmem:v14+s23+$0x0] =	vst.idx.msk $0xffff, v11  }
0x1d1: {  	v22 =	vmov s13;
	s13 =	sadd.s32 $0x2, s11;
	s11 =	smov.u32 s12;
	v14 =	vadd.s32 v0, v4;
	v11 =	vld [tilespmem:s0+$0xFFFFFF80];
	[tilespmem:v12+s23+$0x0] =	vst.idx.msk $0xffff, v9  }
0x1d2: {  	v9 =	vand.u32 $0x7D, v22;
	v12 =	vmov s13;
	[tilespmem:v13+s23+$0x0] =	vst.idx.msk $0xffff, v10;
	v10 =	vld [tilespmem:s10+$0x70];
	v13 =	vadd.s32 v3, v8;
	v8 =	vmovc v19  }
0x1d3: {  	v22 =	vadd.s32 v0, v9;
	v12 =	vand.u32 $0x7E, v12;
	v19 =	vld [tilespmem:s0+$0xFFFFFFC0];
	[tilespmem:v18+s23+$0x0] =	vst.idx.msk $0xffff, v17  }
0x1d4: {  	v24 =	vadd.s32 v0, v12;
	v23 =	vld [tilespmem:s0+$0x0];
	[tilespmem:v21+s23+$0x0] =	vst.idx.msk $0xffff, v20  }
0x1d5: {  	v21 =	vadd.s32 v2, v5;
	[tilespmem:v16+s23+$0x0] =	vst.idx.msk $0xffff, v15;
	v20 =	vld [tilespmem:s10+$0x20]  }
0x1d6: {  	[tilespmem:v14+s23+$0x0] =	vst.idx.msk $0xffff, v11;
	v11 =	vld [tilespmem:s0+$0x50];
	v14 =	vadd.s32 v1, v8  }
0x1d7: {  	v26 =	vadd.s32 v1, v4;
	v25 =	vld [tilespmem:s0+$0xFFFFFF90];
	[tilespmem:v13+s23+$0x0] =	vst.idx.msk $0xffff, v10  }
0x1d8: {  	[tilespmem:v22+s23+$0x0] =	vst.idx.msk $0xffff, v19;
	v19 =	vld [tilespmem:s10+$0xFFFFFFF0];
	v22 =	vadd.s32 v3, v7;
	v7 =	vmov v9  }
.Ltmp6:
0x1d9: {  	v17 =	vld [tilespmem:s0+$0xFFFFFFD0];
	v18 =	vadd.s32 v1, v7;
	[tilespmem:v24+s23+$0x0] =	vst.idx.msk $0xffff, v23;
	(pc) =	sbr.rel @p0 .LBB2_15-.Ltmp6, $4  }
0x1da: {  	v16 =	vadd.s32 v1, v12;
	v15 =	vld [tilespmem:s0+$0x10];
	[tilespmem:v21+s23+$0x0] =	vst.idx.msk $0xffff, v20  }
0x1db: {  	[tilespmem:v14+s23+$0x0] =	vst.idx.msk $0xffff, v11;
	v11 =	vld [tilespmem:s10+$0x30];
	v14 =	vadd.s32 v3, v5;
	v5 =	vmov v12  }
0x1dc: {  	v12 =	vadd.s32 v2, v8;
	[tilespmem:v26+s23+$0x0] =	vst.idx.msk $0xffff, v25;
	v9 =	vld [tilespmem:s0+$0x60]  }
0x1dd: {  	s12 =	sadd.s32 $0x4, s12;
	s13 =	sadd.s32 $0x3, s11;
	v13 =	vadd.s32 v2, v4;
	v10 =	vld [tilespmem:s0+$0xFFFFFFA0];
	[tilespmem:v22+s23+$0x0] =	vst.idx.msk $0xffff, v19  }
0x1de: {  	_ =	sdelay $0x2  }
0x1df: {  	v19 =	vmov s13  }
0x1e0: {  	s12 =	sadd.s32 $0x1, s11;
	[tilespmem:v18+s23+$0x0] =	vst.idx.msk $0xffff, v17;
	v30 =	vld [tilespmem:s10+$0xFFFFFFB0];
	v6 =	vadd.s32 v3, v6;
	s14 =	sadd.s32 $0x100, s0;
	v21 =	vmov s11;
	v31 =	vand.u32 $0x7F, v19  }
0x1e1: {  	s13 =	sadd.s32 $0x2, s11;
	v32 =	vmov s12;
	[tilespmem:v16+s23+$0x0] =	vst.idx.msk $0xffff, v15;
	v33 =	vld [tilespmem:s14+$0x40];
	v21 =	vand.u32 $0x7C, v21;
	v34 =	vadd.s32 v0, v31  }
0x1e2: {  	v20 =	vmov s13;
	v22 =	vld [tilespmem:s14+$0xFFFFFF80];
	v19 =	vand.u32 $0x7D, v32;
	[tilespmem:v14+s23+$0x0] =	vst.idx.msk $0xffff, v11;
	v39 =	vadd.s32 v0, v21  }
0x1e3: {  	v35 =	vld [tilespmem:s14+$0xFFFFFFC0];
	v20 =	vand.u32 $0x7E, v20;
	v36 =	vadd.s32 v0, v19;
	[tilespmem:v12+s23+$0x0] =	vst.idx.msk $0xffff, v9  }
0x1e4: {  	v37 =	vld [tilespmem:s14+$0x0];
	v38 =	vadd.s32 v0, v20;
	[tilespmem:v13+s23+$0x0] =	vst.idx.msk $0xffff, v10  }
0x1e5: {  	v41 =	vadd.s32 v2, v7;
	v40 =	vld [tilespmem:s0+$0xFFFFFFE0];
	[tilespmem:v6+s23+$0x0] =	vst.idx.msk $0xffff, v30  }
0x1e6: {  	v49 =	vadd.s32 v2, v5;
	v48 =	vld [tilespmem:s0+$0x20];
	[tilespmem:v34+s23+$0x0] =	vst.idx.msk $0xffff, v33  }
0x1e7: {  	v43 =	vadd.s32 v1, v31;
	[tilespmem:v39+s23+$0x0] =	vst.idx.msk $0xffff, v22;
	v15 =	vld [tilespmem:s14+$0x50]  }
0x1e8: {  	v47 =	vadd.s32 v1, v21;
	[tilespmem:v36+s23+$0x0] =	vst.idx.msk $0xffff, v35;
	v46 =	vld [tilespmem:s14+$0xFFFFFF90]  }
0x1e9: {  	v44 =	vadd.s32 v1, v19;
	[tilespmem:v38+s23+$0x0] =	vst.idx.msk $0xffff, v37;
	v11 =	vld [tilespmem:s14+$0xFFFFFFD0]  }
0x1ea: {  	v45 =	vadd.s32 v1, v20;
	[tilespmem:v41+s23+$0x0] =	vst.idx.msk $0xffff, v40;
	v9 =	vld [tilespmem:s14+$0x10]  }
0x1eb: {  	v8 =	vadd.s32 v3, v8;
	v42 =	vld [tilespmem:s0+$0x70];
	[tilespmem:v49+s23+$0x0] =	vst.idx.msk $0xffff, v48  }
0x1ec: {  	v5 =	vadd.s32 v3, v5;
	v13 =	vld [tilespmem:s0+$0x30];
	[tilespmem:v43+s23+$0x0] =	vst.idx.msk $0xffff, v15  }
0x1ed: {  	v52 =	vadd.s32 v2, v31;
	[tilespmem:v47+s23+$0x0] =	vst.idx.msk $0xffff, v46;
	v15 =	vld [tilespmem:s14+$0x60]  }
0x1ee: {  	v57 =	vadd.s32 v2, v21;
	[tilespmem:v44+s23+$0x0] =	vst.idx.msk $0xffff, v11;
	v56 =	vld [tilespmem:s14+$0xFFFFFFA0]  }
0x1ef: {  	v53 =	vadd.s32 v2, v19;
	[tilespmem:v45+s23+$0x0] =	vst.idx.msk $0xffff, v9;
	v11 =	vld [tilespmem:s14+$0xFFFFFFE0]  }
0x1f0: {  	v55 =	vadd.s32 v2, v20;
	[tilespmem:v8+s23+$0x0] =	vst.idx.msk $0xffff, v42;
	v54 =	vld [tilespmem:s14+$0x20]  }
0x1f1: {  	v4 =	vadd.s32 v3, v4;
	v58 =	vld [tilespmem:s0+$0xFFFFFFB0];
	[tilespmem:v5+s23+$0x0] =	vst.idx.msk $0xffff, v13  }
0x1f2: {  	v51 =	vadd.s32 v3, v7;
	v50 =	vld [tilespmem:s0+$0xFFFFFFF0];
	[tilespmem:v52+s23+$0x0] =	vst.idx.msk $0xffff, v15  }
0x1f3: {  	v60 =	vadd.s32 v3, v31;
	[tilespmem:v57+s23+$0x0] =	vst.idx.msk $0xffff, v56;
	v59 =	vld [tilespmem:s14+$0x70]  }
0x1f4: {  	v63 =	vadd.s32 v3, v21;
	[tilespmem:v53+s23+$0x0] =	vst.idx.msk $0xffff, v11;
	v5 =	vld [tilespmem:s14+$0xFFFFFFB0]  }
0x1f5: {  	v61 =	vadd.s32 v3, v19;
	[tilespmem:v55+s23+$0x0] =	vst.idx.msk $0xffff, v54;
	v11 =	vld [tilespmem:s14+$0xFFFFFFF0]  }
0x1f6: {  	v62 =	vadd.s32 v3, v20;
	[tilespmem:v4+s23+$0x0] =	vst.idx.msk $0xffff, v58;
	v6 =	vld [tilespmem:s14+$0x30]  }
0x1f7: {  	[tilespmem:v51+s23+$0x0] =	vst.idx.msk $0xffff, v50  }
0x1f8: {  	[tilespmem:v60+s23+$0x0] =	vst.idx.msk $0xffff, v59  }
0x1f9: {  	[tilespmem:v63+s23+$0x0] =	vst.idx.msk $0xffff, v5  }
0x1fa: {  	s10 =	simm.s32 @!p1 $0x80;
	s14 =	sadd.s32 $0x3, s1;
	[tilespmem:v61+s23+$0x0] =	vst.idx.msk $0xffff, v11  }
0x1fb: {  	s11 =	simm.s32 @!p1 $0xC400;
	s0 =	sadd.s32 @!p1 $0x380, s31;
	s1 =	sshll.u32 s14, $0x7;
	[tilespmem:v62+s23+$0x0] =	vst.idx.msk $0xffff, v6  }
0x1fc: {  	[tilespmem:s11], [sflag:$0x4] =	stream.indirect.gather @!p1 [hbm4b:s4+s10], $0x40, s0, s10, $0xb8;
	[tilespmem:$0x16C00] =	vst v63  }
0x1fd: {  	s1 =	sand.u32 $0xF80, s1;
	s0 =	sshll.u32 s14, $0xA  }
0x1fe: {  	s1 =	sadd.s32 s2, s1;
	s0 =	sand.u32 $0xFFF8000, s0  }
0x1ff: {  	s31 =	simm.s32 $0x14A00;
	s1 =	sadd.s32 s0, s1  }
0x200: {  	[hbm4b:s1+s3] =	stream.linear.scatter [tilespmem:s31], [sflag:$0x8], $0x80, $0x38;
	[tilespmem:$0x16C00] =	vst v63  }
0x201: {  	s10 =	simm.s32 $0x14A88;
	s11 =	sadd.s32 $0x10, s1  }
0x202: {  	[hbm4b:s11+s3] =	stream.linear.scatter [tilespmem:s10], [sflag:$0x8], $0x80, $0x38;
	[tilespmem:$0x16C00] =	vst v63  }
0x203: {  	s12 =	simm.s32 $0x14B10;
	s14 =	simm.s32 $0x14B98;
	s13 =	sadd.s32 $0x20, s1  }
0x204: {  	[hbm4b:s13+s3] =	stream.linear.scatter [tilespmem:s12], [sflag:$0x8], $0x80, $0x38;
	[tilespmem:$0x16C00] =	vst v63  }
0x205: {  	s0 =	simm.s32 $0x440;
	s31 =	sadd.s32 $0x30, s1;
	s10 =	simm.s32 $0x14C20  }
0x206: {  	[hbm4b:s31+s3] =	stream.linear.scatter [tilespmem:s14], [sflag:$0x8], $0x80, $0x38;
	[tilespmem:$0x16C00] =	vst v63  }
0x207: {  	s11 =	sadd.s32 $0x40, s1;
	s12 =	simm.s32 $0x14CA8;
	s13 =	sadd.s32 $0x50, s1  }
0x208: {  	[hbm4b:s11+s3] =	stream.linear.scatter [tilespmem:s10], [sflag:$0x8], $0x80, $0x38;
	[tilespmem:$0x16C00] =	vst v63  }
0x209: {  	s14 =	simm.s32 $0x14D30;
	s31 =	sadd.s32 $0x60, s1;
	s10 =	simm.s32 $0x2200  }
0x20a: {  	[hbm4b:s13+s3] =	stream.linear.scatter [tilespmem:s12], [sflag:$0x8], $0x80, $0x38;
	[tilespmem:$0x16C00] =	vst v63  }
0x20b: {  	s11 =	simm.s32 $0x14DB8;
	s12 =	sadd.s32 $0x70, s1;
	s1 =	sadd.s32 $0x1000, s1  }
0x20c: {  	[hbm4b:s31+s3] =	stream.linear.scatter [tilespmem:s14], [sflag:$0x8], $0x80, $0x38;
	[tilespmem:$0x16C00] =	vst v63  }
.LBB2_17:
0x20d: {  	[hbm4b:s12+s3] =	stream.linear.scatter [tilespmem:s11], [sflag:$0x8], $0x80, $0x38;
	[tilespmem:$0x16C00] =	vst v63  }
0x20e: {  	s11 =	smov.u32 s0;
	s0 =	smov.u32 s10  }
0x20f: {  	s13 =	sadd.s32 $0x1100, s10;
	s0 =	sshra.s32 s0, $0x2;
	s12 =	sadd.s32 $0x14A00, s11  }
0x210: {  	[hbm4b:s1+s3] =	stream.linear.scatter [tilespmem:s12], [sflag:$0x8], $0x80, $0x38;
	[tilespmem:$0x16C00] =	vst v63  }
0x211: {  	p0 =	sne.s32 s10, $0x7700;
	s10 =	sadd.s32 $0x14A88, s11;
	s12 =	sadd.s32 $0x10, s1  }
0x212: {  	[hbm4b:s12+s3] =	stream.linear.scatter [tilespmem:s10], [sflag:$0x8], $0x80, $0x38;
	[tilespmem:$0x16C00] =	vst v63  }
0x213: {  	s10 =	sadd.s32 $0x14B10, s11;
	s12 =	sadd.s32 $0x20, s1  }
0x214: {  	[hbm4b:s12+s3] =	stream.linear.scatter [tilespmem:s10], [sflag:$0x8], $0x80, $0x38;
	[tilespmem:$0x16C00] =	vst v63  }
0x215: {  	s10 =	sadd.s32 $0x14B98, s11;
	s12 =	sadd.s32 $0x30, s1  }
0x216: {  	[hbm4b:s12+s3] =	stream.linear.scatter [tilespmem:s10], [sflag:$0x8], $0x80, $0x38;
	[tilespmem:$0x16C00] =	vst v63  }
0x217: {  	s10 =	sadd.s32 $0x14C20, s11;
	s12 =	sadd.s32 $0x40, s1  }
0x218: {  	[hbm4b:s12+s3] =	stream.linear.scatter [tilespmem:s10], [sflag:$0x8], $0x80, $0x38;
	[tilespmem:$0x16C00] =	vst v63  }
.Ltmp7:
0x219: {  	s10 =	sadd.s32 $0x14CA8, s11;
	s12 =	sadd.s32 $0x50, s1;
	(pc) =	sbr.rel @p0 .LBB2_17-.Ltmp7, $4  }
0x21a: {  	[hbm4b:s12+s3] =	stream.linear.scatter [tilespmem:s10], [sflag:$0x8], $0x80, $0x38;
	[tilespmem:$0x16C00] =	vst v63  }
0x21b: {  	s10 =	sadd.s32 $0x14D30, s11;
	s12 =	sadd.s32 $0x60, s1;
	s11 =	sadd.s32 $0x14DB8, s11  }
0x21c: {  	[hbm4b:s12+s3] =	stream.linear.scatter [tilespmem:s10], [sflag:$0x8], $0x80, $0x38;
	[tilespmem:$0x16C00] =	vst v63  }
0x21d: {  	s12 =	sadd.s32 $0x70, s1;
	s1 =	sadd.s32 $0x1000, s1;
	s10 =	smov.u32 s13  }
0x21e: {  	[hbm4b:s12+s3] =	stream.linear.scatter [tilespmem:s11], [sflag:$0x8], $0x80, $0x38;
	[tilespmem:$0x16C00] =	vst v63  }
0x21f: {  	s10 =	sadd.s32 $0x14A00, s0  }
0x220: {  	[hbm4b:s1+s3] =	stream.linear.scatter [tilespmem:s10], [sflag:$0x8], $0x80, $0x38;
	[tilespmem:$0x16C00] =	vst v63  }
0x221: {  	s14 =	sadd.s32 $0x14A88, s0;
	s31 =	sadd.s32 $0x10, s1  }
0x222: {  	[hbm4b:s31+s3] =	stream.linear.scatter [tilespmem:s14], [sflag:$0x8], $0x80, $0x38;
	[tilespmem:$0x16C00] =	vst v63  }
0x223: {  	s12 =	sadd.s32 $0x14B10, s0;
	s13 =	sadd.s32 $0x20, s1  }
0x224: {  	[hbm4b:s13+s3] =	stream.linear.scatter [tilespmem:s12], [sflag:$0x8], $0x80, $0x38;
	[tilespmem:$0x16C00] =	vst v63  }
0x225: {  	s14 =	sadd.s32 $0x14B98, s0;
	s31 =	sadd.s32 $0x30, s1  }
0x226: {  	[hbm4b:s31+s3] =	stream.linear.scatter [tilespmem:s14], [sflag:$0x8], $0x80, $0x38;
	[tilespmem:$0x16C00] =	vst v63  }
0x227: {  	s30 =	sadd.s32 $0x1, s30;
	s12 =	sadd.s32 $0x14C20, s0;
	s13 =	sadd.s32 $0x40, s1  }
0x228: {  	[hbm4b:s13+s3] =	stream.linear.scatter [tilespmem:s12], [sflag:$0x8], $0x80, $0x38;
	[tilespmem:$0x16C00] =	vst v63  }
0x229: {  	p0 =	sne.s32 s30, $0x32;
	s14 =	sadd.s32 $0x14CA8, s0;
	s31 =	sadd.s32 $0x50, s1  }
0x22a: {  	[hbm4b:s31+s3] =	stream.linear.scatter [tilespmem:s14], [sflag:$0x8], $0x80, $0x38;
	[tilespmem:$0x16C00] =	vst v63  }
.Ltmp8:
0x22b: {  	_ = 	snop;
	(pc) =	sbr.rel @p0 .LBB2_2-.Ltmp8, $4  }
0x22c: {  	s12 =	sadd.s32 $0x14D30, s0;
	s13 =	sadd.s32 $0x60, s1  }
0x22d: {  	[hbm4b:s13+s3] =	stream.linear.scatter [tilespmem:s12], [sflag:$0x8], $0x80, $0x38;
	[tilespmem:$0x16C00] =	vst v63  }
0x22e: {  	s14 =	sadd.s32 $0x14DB8, s0;
	s31 =	sadd.s32 $0x70, s1  }
0x22f: {  	[hbm4b:s31+s3] =	stream.linear.scatter [tilespmem:s14], [sflag:$0x8], $0x80, $0x38;
	[tilespmem:$0x16C00] =	vst v63  }
0x230: {  	_ =	swait.ge [sflag:s24], $0x2000  }
0x231: {  	[sflag:s24] =	ssyncset.done $0x0  }
0x232: {  	[sflag:s24] =	ssyncadd.s32 $0xFFFFE000  }
0x233: {  	_ =	swait.ge [sflag:s25], $0x2000  }
0x234: {  	[sflag:s25] =	ssyncset.done $0x0  }
0x235: {  	s29 =	sadd.s32 $0x1, s29;
	[sflag:s25] =	ssyncadd.s32 $0xFFFFE000  }
0x236: {  	p0 =	sne.s32 s29, s7;
	_ =	swait.ge [sflag:s26], $0x2000  }
.Ltmp9:
0x237: {  	[sflag:s26] =	ssyncset.done $0x0;
	(pc) =	sbr.rel @p0 .LBB2_1-.Ltmp9, $4  }
0x238: {  	[sflag:s26] =	ssyncadd.s32 $0xFFFFE000  }
0x239: {  	_ =	swait.ge [sflag:s28], $0x2000  }
0x23a: {  	[sflag:s28] =	ssyncset.done $0x0  }
0x23b: {  	[sflag:s28] =	ssyncadd.s32 $0xFFFFE000  }
0x23c: {  	_ =	sfence.sel $0x180000  }
0x23d: {  	[bflag:$0x0] =	sbarrier.arrive $0xFFFF  }
0x23e: {  	_ =	strace $0x90000047  }
0x23f: {  	s0 =	stileid.u32;
	[bflag:$0x2] =	sbarrier.arrive $0xFFFF  }
0x240: {  	p0 =	sne.s32 s0, $0x0;
	s0 =	rddreg [dreg:$0x2]  }
0x241: {  	s0 =	sadd.s32 @!p0 $0x100000, s0  }
0x242: {  	[sflag:s0] =	ssyncadd.tile.s32 @!p0 $0x1;
	_ =	shalt  }
.Lfunc_end2:
_tile_overlayer_lowered:
.L_overlay_start_2:
0x243: {  	(tag) =	ssettag $0x2  }
0x244: {  	s0 =	rddreg [dreg:$0x0];
	s2 =	stileid.u32  }
0x245: {  	s1 =	rddreg [dreg:$0x1];
	p0 =	sne.s32 s2, $0x0  }
0x246: {  	s3 =	rddreg [dreg:$0x2];
	[bflag:$0x3] =	sbarrier.arrive $0xFFFF;
	s2 =	simm.s32 @!p0 $0x1C09  }
0x247: {  	[timem:s3], [sflag:s2] =	dma.local @!p0 [hbm:s0], s1  }
0x248: {  	s0 =	simm.s32 @!p0 $0x9  }
0x249: {  	_ =	swait.ge @!p0 [sflag:s0], s1  }
0x24a: {  	s1 =	ssub.s32 @!p0 $0x0, s1;
	[sflag:s0] =	ssyncset.done @!p0 $0x0  }
0x24b: {  	[sflag:s0] =	ssyncadd.s32 @!p0 s1  }
0x24c: {  	[bflag:$0x3] =	sbarrier.arrive $0xFFFF  }
0x24d: {  	_ =	shalt  }

</sc_bundles>
